<compile_context>
chip_gen: v7x
topology: tpu7x:2x2x1
jax: 0.10.2.dev20260603
libtpu: 0.0.44.dev20260713+nightly
codegen_flags: <defaults>
</compile_context>

<pallas_src>
import functools

import jax
import jax.numpy as jnp
from jax import lax
from jax.experimental import pallas as pl
from jax.experimental.pallas import tpu as pltpu
from jax.experimental.pallas import tpu_sc as plsc


def _sum64_sublanes(sq):
    a = sq[0:8]
    for g in range(1, 8):
        a = a + sq[8 * g:8 * g + 8]
    b = a[0:4] + a[4:8]
    c = b[0:2] + b[2:4]
    return c[0:1] + c[1:2]


def _rowsum64(r):
    a = r[:, 0:8]
    for g in range(1, 8):
        a = a + r[:, 8 * g:8 * g + 8]
    b = a[:, 0:4] + a[:, 4:8]
    c = b[:, 0:2] + b[:, 2:4]
    return c[:, 0:1] + c[:, 1:2]


def _c2_body(cb_ref, c2_ref):
    cb = cb_ref[...]
    c2_ref[...] = jnp.broadcast_to(_rowsum64(cb * cb), (cb.shape[0], 128))


def _dist_argmax_body(x_ref, cb_ref, c2_ref, idx_ref):
    xt = x_ref[...].T
    cb = cb_ref[...]
    k = cb.shape[0]
    x2 = _sum64_sublanes(xt * xt)
    c2 = c2_ref[...][:, 0:1]
    mm = lax.dot_general(cb, xt, (((1,), (0,)), ((), ())),
                         preferred_element_type=jnp.float32)
    d2 = x2 + c2 - 2.0 * mm
    xc = jnp.maximum(d2, 0.0)
    dist = jnp.where(xc == 0.0, 0.0, xc * lax.rsqrt(xc))
    m = jnp.max(dist, axis=0, keepdims=True)
    iota = lax.broadcasted_iota(jnp.int32, dist.shape, 0)
    cand_idx = jnp.where(dist == m, iota, k)
    idx_ref[...] = jnp.min(cand_idx, axis=0).astype(jnp.int32)


def _dist_argmax(x, codebook, block_n=1024):
    n, d = x.shape
    k = codebook.shape[0]
    c2 = pl.pallas_call(
        _c2_body,
        in_specs=[pl.BlockSpec((k, d), lambda: (0, 0))],
        out_specs=pl.BlockSpec((k, 128), lambda: (0, 0)),
        out_shape=jax.ShapeDtypeStruct((k, 128), jnp.float32),
    )(codebook)
    return pl.pallas_call(
        _dist_argmax_body,
        grid=(n // block_n,),
        in_specs=[
            pl.BlockSpec((block_n, d), lambda i: (i, 0)),
            pl.BlockSpec((k, d), lambda i: (0, 0)),
            pl.BlockSpec((k, 128), lambda i: (0, 0)),
        ],
        out_specs=pl.BlockSpec((block_n,), lambda i: (i,)),
        out_shape=jax.ShapeDtypeStruct((n,), jnp.int32),
    )(x, codebook, c2)


@functools.lru_cache(maxsize=None)
def _make_sc_gather(k, d, n):
    info = plsc.get_sparse_core_info()
    nw = info.num_cores * info.num_subcores
    assert d % info.num_lanes == 0 and n % (8 * nw) == 0
    b_per_w = n // nw
    chunk = b_per_w // 3
    assert chunk % 8 == 0
    n_chunks = b_per_w // chunk
    assert b_per_w % chunk == 0
    mesh = plsc.VectorSubcoreMesh(core_axis_name="c", subcore_axis_name="s")

    @functools.partial(
        pl.kernel, mesh=mesh,
        out_type=jax.ShapeDtypeStruct((n, 128), jnp.float32),
        scratch_types=[
            pltpu.VMEM((b_per_w,), jnp.int32),
            pltpu.VMEM((chunk, 128), jnp.float32),
            pltpu.VMEM((chunk, 128), jnp.float32),
            pltpu.SemaphoreType.DMA,
            pltpu.SemaphoreType.DMA,
            pltpu.SemaphoreType.DMA,
            pltpu.SemaphoreType.DMA,
        ],
    )
    def gather(table_hbm, idx_hbm, out_hbm, idx_v, rows_a, rows_b,
               gsem_a, gsem_b, csem_a, csem_b):
        wid = lax.axis_index("s") * info.num_cores + lax.axis_index("c")
        base = wid * b_per_w
        bufs = (rows_a, rows_b)
        gsems = (gsem_a, gsem_b)
        csems = (csem_a, csem_b)
        pltpu.sync_copy(idx_hbm.at[pl.ds(base, b_per_w)], idx_v)

        def start_gather(j):
            b = j & 1
            return pltpu.async_copy(
                table_hbm.at[idx_v.at[pl.ds(j * chunk, chunk)]],
                bufs[b], gsems[b])

        g = start_gather(0)
        copies = [None, None]
        for j in range(n_chunks):
            b = j & 1
            g.wait()
            if j + 1 < n_chunks:
                b2 = (j + 1) & 1
                if copies[b2] is not None:
                    copies[b2].wait()
                g = start_gather(j + 1)
            copies[b] = pltpu.async_copy(
                bufs[b], out_hbm.at[pl.ds(base + j * chunk, chunk)],
                csems[b])
        for c in copies:
            if c is not None:
                c.wait()

    return gather


def kernel(inputs, codebook):
    shape = inputs.shape
    x = inputs.reshape(-1, shape[-1]) if inputs.ndim > 2 else inputs
    n, d = x.shape
    k = codebook.shape[0]
    cb_pad = jnp.pad(codebook, ((0, 0), (0, 128 - d)))
    h = n // 2
    gather = _make_sc_gather(k, d, h)
    halves = []
    for x_h in (x[:h], x[h:]):
        idx_h = _dist_argmax(x_h, codebook)
        halves.append(gather(cb_pad, idx_h)[:, :d])
    return jnp.concatenate(halves, axis=0).reshape(shape)

# --- scband reference (transcript-rebuilt; emitter-appended) ---
"""Pipeline reference for scband-quantization-8409545966132 (READ-ONLY COPY).

The authoritative reference and input builder live on the scoring server;
editing this copy changes nothing except your own understanding.
"""

import jax, jax.numpy as jnp
import numpy as np


def setup_inputs(seed: int = 0) -> dict:
    key = jax.random.key(seed)
    k1, k2 = jax.random.split(key)
    inputs = jax.random.normal(k1, (64, 576, 64), dtype=jnp.float32)
    lim = 1.0 / 1024.0
    codebook = jax.random.uniform(k2, (1024, 64), dtype=jnp.float32, minval=-lim, maxval=lim)
    return {"inputs": inputs, "codebook": codebook}


def reference(inputs, codebook):
    # Faithful translation of Quantization.forward in eval mode.
    input_shape = inputs.shape
    if inputs.ndim > 2:
        x = inputs.reshape(-1, input_shape[-1])
    else:
        x = inputs
    # detached_input = inputs.detach()
    xd = jax.lax.stop_gradient(x)
    # torch.cdist(detached_input.unsqueeze(0), codebook.unsqueeze(0), p=2).squeeze_()
    x2 = jnp.sum(xd * xd, axis=1, keepdims=True)          # [N, 1]
    c2 = jnp.sum(codebook * codebook, axis=1)[None, :]    # [1, K]
    d2 = x2 + c2 - 2.0 * (xd @ codebook.T)                # [N, K]
    dist = jnp.sqrt(jnp.maximum(d2, 0.0))
    # NOTE: original code uses argmax (as written), kept faithful.
    idx = jnp.argmax(dist, axis=1)                        # [N]
    quantized = jnp.take(codebook, idx, axis=0)           # gather [N, D]
    if inputs.ndim > 2:
        quantized = quantized.reshape(input_shape)
    return quantized

if __name__ == "__main__":
    import jax
    _d = setup_inputs()
    print(jax.jit(kernel)(*tuple(_d.values())))

</pallas_src>

<mosaic_0001>
#map = affine_map<(d0, d1) -> (0, 0)>
#map1 = affine_map<(d0, d1) -> (0)>
module attributes {stable_mosaic.version = 14 : i64} {
  func.func @gather(%arg0: i32, %arg1: i32, %arg2: memref<1024x128xf32, #tpu.memory_space<hbm>>, %arg3: memref<18432xi32, #tpu.memory_space<hbm>>, %arg4: memref<18432x128xf32, #tpu.memory_space<hbm>>, %arg5: memref<576xi32, #tpu.memory_space<vmem>>, %arg6: memref<192x128xf32, #tpu.memory_space<vmem>>, %arg7: memref<192x128xf32, #tpu.memory_space<vmem>>, %arg8: memref<!tpu.dma_semaphore, #tpu.memory_space<semaphore_mem>>, %arg9: memref<!tpu.dma_semaphore, #tpu.memory_space<semaphore_mem>>, %arg10: memref<!tpu.dma_semaphore, #tpu.memory_space<semaphore_mem>>, %arg11: memref<!tpu.dma_semaphore, #tpu.memory_space<semaphore_mem>>) attributes {dimension_semantics = [#tpu.dimension_semantics<core_parallel>, #tpu.dimension_semantics<subcore_parallel>], iteration_bounds = array<i64: 2, 16>, scalar_prefetch = 0 : i64, scratch_operands = 7 : i64, tpu.core_type = #tpu.core_type<sc_vector_subcore>, window_params = [{transform_indices = #map}, {transform_indices = #map1}, {transform_indices = #map}]} {
    %mul3A = arith.constant 2 : i32
    %mul3A_0 = arith.muli %arg1, %mul3A : i32
    %add3A = arith.addi %mul3A_0, %arg0 : i32
    %mul3A_1 = arith.constant 576 : i32
    %mul3A_2 = arith.muli %add3A, %mul3A_1 : i32
    "tpu.region"() ({
      %run_scoped3A = tpu.sem_alloc : memref<!tpu.dma_semaphore, #tpu.memory_space<semaphore_mem>>
      %dma_start3A_61 = tpu.memref_slice %arg3[%mul3A_2] : memref<18432xi32, #tpu.memory_space<hbm>> -> memref<576xi32, #tpu.memory_space<hbm>>
      %dma_start3A_62 = tpu.memref_slice %arg3[%mul3A_2] : memref<18432xi32, #tpu.memory_space<hbm>> -> memref<576xi32, #tpu.memory_space<hbm>>
      tpu.enqueue_dma source(%dma_start3A_62 : memref<576xi32, #tpu.memory_space<hbm>>) target(%arg5 : memref<576xi32, #tpu.memory_space<vmem>>) target_semaphore(%run_scoped3A : memref<!tpu.dma_semaphore, #tpu.memory_space<semaphore_mem>>)
      %dma_wait3A_63 = tpu.memref_slice %arg3[%mul3A_2] : memref<18432xi32, #tpu.memory_space<hbm>> -> memref<576xi32, #tpu.memory_space<hbm>>
      %dma_wait3A_64 = tpu.memref_slice %arg3[%mul3A_2] : memref<18432xi32, #tpu.memory_space<hbm>> -> memref<576xi32, #tpu.memory_space<hbm>>
      tpu.wait_dma2 semaphore(%run_scoped3A : memref<!tpu.dma_semaphore, #tpu.memory_space<semaphore_mem>>) src(%dma_wait3A_64 : memref<576xi32, #tpu.memory_space<hbm>>) dst(%arg5 : memref<576xi32, #tpu.memory_space<vmem>>)
      tpu.yield
    }) : () -> ()
    %dma_start3A = arith.constant 0 : i32
    %dma_start3A_3 = tpu.memref_slice %arg5[%dma_start3A] : memref<576xi32, #tpu.memory_space<vmem>> -> memref<192xi32, #tpu.memory_space<vmem>>
    %dma_start3A_4 = arith.constant 0 : i32
    %dma_start3A_5 = arith.constant 0 : i32
    %dma_start3A_6 = tpu.memref_slice %arg2[%dma_start3A_4, %dma_start3A_5] : memref<1024x128xf32, #tpu.memory_space<hbm>> -> memref<1024x128xf32, #tpu.memory_space<hbm>>
    tpu.enqueue_indirect_dma source(%dma_start3A_6 : memref<1024x128xf32, #tpu.memory_space<hbm>>) target(%arg6 : memref<192x128xf32, #tpu.memory_space<vmem>>) offsets(%dma_start3A_3 : memref<192xi32, #tpu.memory_space<vmem>>) semaphore(%arg8 : memref<!tpu.dma_semaphore, #tpu.memory_space<semaphore_mem>>)
    %dma_wait3A = arith.constant 0 : i32
    %dma_wait3A_7 = tpu.memref_slice %arg5[%dma_wait3A] : memref<576xi32, #tpu.memory_space<vmem>> -> memref<192xi32, #tpu.memory_space<vmem>>
    %dma_wait3A_8 = arith.constant 0 : i32
    %dma_wait3A_9 = arith.constant 0 : i32
    %dma_wait3A_10 = tpu.memref_slice %arg2[%dma_wait3A_8, %dma_wait3A_9] : memref<1024x128xf32, #tpu.memory_space<hbm>> -> memref<1024x128xf32, #tpu.memory_space<hbm>>
    tpu.wait_indirect_dma semaphore(%arg8 : memref<!tpu.dma_semaphore, #tpu.memory_space<semaphore_mem>>) src(%dma_wait3A_10 : memref<1024x128xf32, #tpu.memory_space<hbm>>) dst(%arg6 : memref<192x128xf32, #tpu.memory_space<vmem>>)
    %dma_start3A_11 = arith.constant 192 : i32
    %dma_start3A_12 = tpu.memref_slice %arg5[%dma_start3A_11] : memref<576xi32, #tpu.memory_space<vmem>> -> memref<192xi32, #tpu.memory_space<vmem>>
    %dma_start3A_13 = arith.constant 0 : i32
    %dma_start3A_14 = arith.constant 0 : i32
    %dma_start3A_15 = tpu.memref_slice %arg2[%dma_start3A_13, %dma_start3A_14] : memref<1024x128xf32, #tpu.memory_space<hbm>> -> memref<1024x128xf32, #tpu.memory_space<hbm>>
    tpu.enqueue_indirect_dma source(%dma_start3A_15 : memref<1024x128xf32, #tpu.memory_space<hbm>>) target(%arg7 : memref<192x128xf32, #tpu.memory_space<vmem>>) offsets(%dma_start3A_12 : memref<192xi32, #tpu.memory_space<vmem>>) semaphore(%arg9 : memref<!tpu.dma_semaphore, #tpu.memory_space<semaphore_mem>>)
    %add3A_16 = arith.constant 0 : i32
    %add3A_17 = arith.addi %mul3A_2, %add3A_16 : i32
    %dma_start3A_18 = arith.constant 0 : i32
    %dma_start3A_19 = tpu.memref_slice %arg4[%add3A_17, %dma_start3A_18] : memref<18432x128xf32, #tpu.memory_space<hbm>> -> memref<192x128xf32, #tpu.memory_space<hbm>>
    %dma_start3A_20 = arith.constant 0 : i32
    %dma_start3A_21 = tpu.memref_slice %arg4[%add3A_17, %dma_start3A_20] : memref<18432x128xf32, #tpu.memory_space<hbm>> -> memref<192x128xf32, #tpu.memory_space<hbm>>
    tpu.enqueue_dma source(%arg6 : memref<192x128xf32, #tpu.memory_space<vmem>>) target(%dma_start3A_21 : memref<192x128xf32, #tpu.memory_space<hbm>>) target_semaphore(%arg10 : memref<!tpu.dma_semaphore, #tpu.memory_space<semaphore_mem>>)
    %dma_wait3A_22 = arith.constant 192 : i32
    %dma_wait3A_23 = tpu.memref_slice %arg5[%dma_wait3A_22] : memref<576xi32, #tpu.memory_space<vmem>> -> memref<192xi32, #tpu.memory_space<vmem>>
    %dma_wait3A_24 = arith.constant 0 : i32
    %dma_wait3A_25 = arith.constant 0 : i32
    %dma_wait3A_26 = tpu.memref_slice %arg2[%dma_wait3A_24, %dma_wait3A_25] : memref<1024x128xf32, #tpu.memory_space<hbm>> -> memref<1024x128xf32, #tpu.memory_space<hbm>>
    tpu.wait_indirect_dma semaphore(%arg9 : memref<!tpu.dma_semaphore, #tpu.memory_space<semaphore_mem>>) src(%dma_wait3A_26 : memref<1024x128xf32, #tpu.memory_space<hbm>>) dst(%arg7 : memref<192x128xf32, #tpu.memory_space<vmem>>)
    %dma_wait3A_27 = arith.constant 0 : i32
    %dma_wait3A_28 = tpu.memref_slice %arg4[%add3A_17, %dma_wait3A_27] : memref<18432x128xf32, #tpu.memory_space<hbm>> -> memref<192x128xf32, #tpu.memory_space<hbm>>
    %dma_wait3A_29 = arith.constant 0 : i32
    %dma_wait3A_30 = tpu.memref_slice %arg4[%add3A_17, %dma_wait3A_29] : memref<18432x128xf32, #tpu.memory_space<hbm>> -> memref<192x128xf32, #tpu.memory_space<hbm>>
    tpu.wait_dma2 semaphore(%arg10 : memref<!tpu.dma_semaphore, #tpu.memory_space<semaphore_mem>>) src(%arg6 : memref<192x128xf32, #tpu.memory_space<vmem>>) dst(%dma_wait3A_30 : memref<192x128xf32, #tpu.memory_space<hbm>>)
    %dma_start3A_31 = arith.constant 384 : i32
    %dma_start3A_32 = tpu.memref_slice %arg5[%dma_start3A_31] : memref<576xi32, #tpu.memory_space<vmem>> -> memref<192xi32, #tpu.memory_space<vmem>>
    %dma_start3A_33 = arith.constant 0 : i32
    %dma_start3A_34 = arith.constant 0 : i32
    %dma_start3A_35 = tpu.memref_slice %arg2[%dma_start3A_33, %dma_start3A_34] : memref<1024x128xf32, #tpu.memory_space<hbm>> -> memref<1024x128xf32, #tpu.memory_space<hbm>>
    tpu.enqueue_indirect_dma source(%dma_start3A_35 : memref<1024x128xf32, #tpu.memory_space<hbm>>) target(%arg6 : memref<192x128xf32, #tpu.memory_space<vmem>>) offsets(%dma_start3A_32 : memref<192xi32, #tpu.memory_space<vmem>>) semaphore(%arg8 : memref<!tpu.dma_semaphore, #tpu.memory_space<semaphore_mem>>)
    %add3A_36 = arith.constant 192 : i32
    %add3A_37 = arith.addi %mul3A_2, %add3A_36 : i32
    %dma_start3A_38 = arith.constant 0 : i32
    %dma_start3A_39 = tpu.memref_slice %arg4[%add3A_37, %dma_start3A_38] : memref<18432x128xf32, #tpu.memory_space<hbm>> -> memref<192x128xf32, #tpu.memory_space<hbm>>
    %dma_start3A_40 = arith.constant 0 : i32
    %dma_start3A_41 = tpu.memref_slice %arg4[%add3A_37, %dma_start3A_40] : memref<18432x128xf32, #tpu.memory_space<hbm>> -> memref<192x128xf32, #tpu.memory_space<hbm>>
    tpu.enqueue_dma source(%arg7 : memref<192x128xf32, #tpu.memory_space<vmem>>) target(%dma_start3A_41 : memref<192x128xf32, #tpu.memory_space<hbm>>) target_semaphore(%arg11 : memref<!tpu.dma_semaphore, #tpu.memory_space<semaphore_mem>>)
    %dma_wait3A_42 = arith.constant 384 : i32
    %dma_wait3A_43 = tpu.memref_slice %arg5[%dma_wait3A_42] : memref<576xi32, #tpu.memory_space<vmem>> -> memref<192xi32, #tpu.memory_space<vmem>>
    %dma_wait3A_44 = arith.constant 0 : i32
    %dma_wait3A_45 = arith.constant 0 : i32
    %dma_wait3A_46 = tpu.memref_slice %arg2[%dma_wait3A_44, %dma_wait3A_45] : memref<1024x128xf32, #tpu.memory_space<hbm>> -> memref<1024x128xf32, #tpu.memory_space<hbm>>
    tpu.wait_indirect_dma semaphore(%arg8 : memref<!tpu.dma_semaphore, #tpu.memory_space<semaphore_mem>>) src(%dma_wait3A_46 : memref<1024x128xf32, #tpu.memory_space<hbm>>) dst(%arg6 : memref<192x128xf32, #tpu.memory_space<vmem>>)
    %add3A_47 = arith.constant 384 : i32
    %add3A_48 = arith.addi %mul3A_2, %add3A_47 : i32
    %dma_start3A_49 = arith.constant 0 : i32
    %dma_start3A_50 = tpu.memref_slice %arg4[%add3A_48, %dma_start3A_49] : memref<18432x128xf32, #tpu.memory_space<hbm>> -> memref<192x128xf32, #tpu.memory_space<hbm>>
    %dma_start3A_51 = arith.constant 0 : i32
    %dma_start3A_52 = tpu.memref_slice %arg4[%add3A_48, %dma_start3A_51] : memref<18432x128xf32, #tpu.memory_space<hbm>> -> memref<192x128xf32, #tpu.memory_space<hbm>>
    tpu.enqueue_dma source(%arg6 : memref<192x128xf32, #tpu.memory_space<vmem>>) target(%dma_start3A_52 : memref<192x128xf32, #tpu.memory_space<hbm>>) target_semaphore(%arg10 : memref<!tpu.dma_semaphore, #tpu.memory_space<semaphore_mem>>)
    %dma_wait3A_53 = arith.constant 0 : i32
    %dma_wait3A_54 = tpu.memref_slice %arg4[%add3A_48, %dma_wait3A_53] : memref<18432x128xf32, #tpu.memory_space<hbm>> -> memref<192x128xf32, #tpu.memory_space<hbm>>
    %dma_wait3A_55 = arith.constant 0 : i32
    %dma_wait3A_56 = tpu.memref_slice %arg4[%add3A_48, %dma_wait3A_55] : memref<18432x128xf32, #tpu.memory_space<hbm>> -> memref<192x128xf32, #tpu.memory_space<hbm>>
    tpu.wait_dma2 semaphore(%arg10 : memref<!tpu.dma_semaphore, #tpu.memory_space<semaphore_mem>>) src(%arg6 : memref<192x128xf32, #tpu.memory_space<vmem>>) dst(%dma_wait3A_56 : memref<192x128xf32, #tpu.memory_space<hbm>>)
    %dma_wait3A_57 = arith.constant 0 : i32
    %dma_wait3A_58 = tpu.memref_slice %arg4[%add3A_37, %dma_wait3A_57] : memref<18432x128xf32, #tpu.memory_space<hbm>> -> memref<192x128xf32, #tpu.memory_space<hbm>>
    %dma_wait3A_59 = arith.constant 0 : i32
    %dma_wait3A_60 = tpu.memref_slice %arg4[%add3A_37, %dma_wait3A_59] : memref<18432x128xf32, #tpu.memory_space<hbm>> -> memref<192x128xf32, #tpu.memory_space<hbm>>
    tpu.wait_dma2 semaphore(%arg11 : memref<!tpu.dma_semaphore, #tpu.memory_space<semaphore_mem>>) src(%arg7 : memref<192x128xf32, #tpu.memory_space<vmem>>) dst(%dma_wait3A_60 : memref<192x128xf32, #tpu.memory_space<hbm>>)
    return
  }
}

#map = affine_map<(d0, d1) -> (0, 0)>
#map1 = affine_map<(d0, d1) -> (0)>
module attributes {stable_mosaic.version = 14 : i64} {
  func.func @gather(%arg0: i32, %arg1: i32, %arg2: memref<1024x128xf32, #tpu.memory_space<hbm>>, %arg3: memref<18432xi32, #tpu.memory_space<hbm>>, %arg4: memref<18432x128xf32, #tpu.memory_space<hbm>>, %arg5: memref<576xi32, #tpu.memory_space<vmem>>, %arg6: memref<192x128xf32, #tpu.memory_space<vmem>>, %arg7: memref<192x128xf32, #tpu.memory_space<vmem>>, %arg8: memref<!tpu.dma_semaphore, #tpu.memory_space<semaphore_mem>>, %arg9: memref<!tpu.dma_semaphore, #tpu.memory_space<semaphore_mem>>, %arg10: memref<!tpu.dma_semaphore, #tpu.memory_space<semaphore_mem>>, %arg11: memref<!tpu.dma_semaphore, #tpu.memory_space<semaphore_mem>>) attributes {dimension_semantics = [#tpu.dimension_semantics<core_parallel>, #tpu.dimension_semantics<subcore_parallel>], iteration_bounds = array<i64: 2, 16>, scalar_prefetch = 0 : i64, scratch_operands = 7 : i64, tpu.core_type = #tpu.core_type<sc_vector_subcore>, window_params = [{transform_indices = #map}, {transform_indices = #map1}, {transform_indices = #map}]} {
    %mul3A = arith.constant 2 : i32
    %mul3A_0 = arith.muli %arg1, %mul3A : i32
    %add3A = arith.addi %mul3A_0, %arg0 : i32
    %mul3A_1 = arith.constant 576 : i32
    %mul3A_2 = arith.muli %add3A, %mul3A_1 : i32
    "tpu.region"() ({
      %run_scoped3A = tpu.sem_alloc : memref<!tpu.dma_semaphore, #tpu.memory_space<semaphore_mem>>
      %dma_start3A_61 = tpu.memref_slice %arg3[%mul3A_2] : memref<18432xi32, #tpu.memory_space<hbm>> -> memref<576xi32, #tpu.memory_space<hbm>>
      %dma_start3A_62 = tpu.memref_slice %arg3[%mul3A_2] : memref<18432xi32, #tpu.memory_space<hbm>> -> memref<576xi32, #tpu.memory_space<hbm>>
      tpu.enqueue_dma source(%dma_start3A_62 : memref<576xi32, #tpu.memory_space<hbm>>) target(%arg5 : memref<576xi32, #tpu.memory_space<vmem>>) target_semaphore(%run_scoped3A : memref<!tpu.dma_semaphore, #tpu.memory_space<semaphore_mem>>)
      %dma_wait3A_63 = tpu.memref_slice %arg3[%mul3A_2] : memref<18432xi32, #tpu.memory_space<hbm>> -> memref<576xi32, #tpu.memory_space<hbm>>
      %dma_wait3A_64 = tpu.memref_slice %arg3[%mul3A_2] : memref<18432xi32, #tpu.memory_space<hbm>> -> memref<576xi32, #tpu.memory_space<hbm>>
      tpu.wait_dma2 semaphore(%run_scoped3A : memref<!tpu.dma_semaphore, #tpu.memory_space<semaphore_mem>>) src(%dma_wait3A_64 : memref<576xi32, #tpu.memory_space<hbm>>) dst(%arg5 : memref<576xi32, #tpu.memory_space<vmem>>)
      tpu.yield
    }) : () -> ()
    %dma_start3A = arith.constant 0 : i32
    %dma_start3A_3 = tpu.memref_slice %arg5[%dma_start3A] : memref<576xi32, #tpu.memory_space<vmem>> -> memref<192xi32, #tpu.memory_space<vmem>>
    %dma_start3A_4 = arith.constant 0 : i32
    %dma_start3A_5 = arith.constant 0 : i32
    %dma_start3A_6 = tpu.memref_slice %arg2[%dma_start3A_4, %dma_start3A_5] : memref<1024x128xf32, #tpu.memory_space<hbm>> -> memref<1024x128xf32, #tpu.memory_space<hbm>>
    tpu.enqueue_indirect_dma source(%dma_start3A_6 : memref<1024x128xf32, #tpu.memory_space<hbm>>) target(%arg6 : memref<192x128xf32, #tpu.memory_space<vmem>>) offsets(%dma_start3A_3 : memref<192xi32, #tpu.memory_space<vmem>>) semaphore(%arg8 : memref<!tpu.dma_semaphore, #tpu.memory_space<semaphore_mem>>)
    %dma_wait3A = arith.constant 0 : i32
    %dma_wait3A_7 = tpu.memref_slice %arg5[%dma_wait3A] : memref<576xi32, #tpu.memory_space<vmem>> -> memref<192xi32, #tpu.memory_space<vmem>>
    %dma_wait3A_8 = arith.constant 0 : i32
    %dma_wait3A_9 = arith.constant 0 : i32
    %dma_wait3A_10 = tpu.memref_slice %arg2[%dma_wait3A_8, %dma_wait3A_9] : memref<1024x128xf32, #tpu.memory_space<hbm>> -> memref<1024x128xf32, #tpu.memory_space<hbm>>
    tpu.wait_indirect_dma semaphore(%arg8 : memref<!tpu.dma_semaphore, #tpu.memory_space<semaphore_mem>>) src(%dma_wait3A_10 : memref<1024x128xf32, #tpu.memory_space<hbm>>) dst(%arg6 : memref<192x128xf32, #tpu.memory_space<vmem>>)
    %dma_start3A_11 = arith.constant 192 : i32
    %dma_start3A_12 = tpu.memref_slice %arg5[%dma_start3A_11] : memref<576xi32, #tpu.memory_space<vmem>> -> memref<192xi32, #tpu.memory_space<vmem>>
    %dma_start3A_13 = arith.constant 0 : i32
    %dma_start3A_14 = arith.constant 0 : i32
    %dma_start3A_15 = tpu.memref_slice %arg2[%dma_start3A_13, %dma_start3A_14] : memref<1024x128xf32, #tpu.memory_space<hbm>> -> memref<1024x128xf32, #tpu.memory_space<hbm>>
    tpu.enqueue_indirect_dma source(%dma_start3A_15 : memref<1024x128xf32, #tpu.memory_space<hbm>>) target(%arg7 : memref<192x128xf32, #tpu.memory_space<vmem>>) offsets(%dma_start3A_12 : memref<192xi32, #tpu.memory_space<vmem>>) semaphore(%arg9 : memref<!tpu.dma_semaphore, #tpu.memory_space<semaphore_mem>>)
    %add3A_16 = arith.constant 0 : i32
    %add3A_17 = arith.addi %mul3A_2, %add3A_16 : i32
    %dma_start3A_18 = arith.constant 0 : i32
    %dma_start3A_19 = tpu.memref_slice %arg4[%add3A_17, %dma_start3A_18] : memref<18432x128xf32, #tpu.memory_space<hbm>> -> memref<192x128xf32, #tpu.memory_space<hbm>>
    %dma_start3A_20 = arith.constant 0 : i32
    %dma_start3A_21 = tpu.memref_slice %arg4[%add3A_17, %dma_start3A_20] : memref<18432x128xf32, #tpu.memory_space<hbm>> -> memref<192x128xf32, #tpu.memory_space<hbm>>
    tpu.enqueue_dma source(%arg6 : memref<192x128xf32, #tpu.memory_space<vmem>>) target(%dma_start3A_21 : memref<192x128xf32, #tpu.memory_space<hbm>>) target_semaphore(%arg10 : memref<!tpu.dma_semaphore, #tpu.memory_space<semaphore_mem>>)
    %dma_wait3A_22 = arith.constant 192 : i32
    %dma_wait3A_23 = tpu.memref_slice %arg5[%dma_wait3A_22] : memref<576xi32, #tpu.memory_space<vmem>> -> memref<192xi32, #tpu.memory_space<vmem>>
    %dma_wait3A_24 = arith.constant 0 : i32
    %dma_wait3A_25 = arith.constant 0 : i32
    %dma_wait3A_26 = tpu.memref_slice %arg2[%dma_wait3A_24, %dma_wait3A_25] : memref<1024x128xf32, #tpu.memory_space<hbm>> -> memref<1024x128xf32, #tpu.memory_space<hbm>>
    tpu.wait_indirect_dma semaphore(%arg9 : memref<!tpu.dma_semaphore, #tpu.memory_space<semaphore_mem>>) src(%dma_wait3A_26 : memref<1024x128xf32, #tpu.memory_space<hbm>>) dst(%arg7 : memref<192x128xf32, #tpu.memory_space<vmem>>)
    %dma_wait3A_27 = arith.constant 0 : i32
    %dma_wait3A_28 = tpu.memref_slice %arg4[%add3A_17, %dma_wait3A_27] : memref<18432x128xf32, #tpu.memory_space<hbm>> -> memref<192x128xf32, #tpu.memory_space<hbm>>
    %dma_wait3A_29 = arith.constant 0 : i32
    %dma_wait3A_30 = tpu.memref_slice %arg4[%add3A_17, %dma_wait3A_29] : memref<18432x128xf32, #tpu.memory_space<hbm>> -> memref<192x128xf32, #tpu.memory_space<hbm>>
    tpu.wait_dma2 semaphore(%arg10 : memref<!tpu.dma_semaphore, #tpu.memory_space<semaphore_mem>>) src(%arg6 : memref<192x128xf32, #tpu.memory_space<vmem>>) dst(%dma_wait3A_30 : memref<192x128xf32, #tpu.memory_space<hbm>>)
    %dma_start3A_31 = arith.constant 384 : i32
    %dma_start3A_32 = tpu.memref_slice %arg5[%dma_start3A_31] : memref<576xi32, #tpu.memory_space<vmem>> -> memref<192xi32, #tpu.memory_space<vmem>>
    %dma_start3A_33 = arith.constant 0 : i32
    %dma_start3A_34 = arith.constant 0 : i32
    %dma_start3A_35 = tpu.memref_slice %arg2[%dma_start3A_33, %dma_start3A_34] : memref<1024x128xf32, #tpu.memory_space<hbm>> -> memref<1024x128xf32, #tpu.memory_space<hbm>>
    tpu.enqueue_indirect_dma source(%dma_start3A_35 : memref<1024x128xf32, #tpu.memory_space<hbm>>) target(%arg6 : memref<192x128xf32, #tpu.memory_space<vmem>>) offsets(%dma_start3A_32 : memref<192xi32, #tpu.memory_space<vmem>>) semaphore(%arg8 : memref<!tpu.dma_semaphore, #tpu.memory_space<semaphore_mem>>)
    %add3A_36 = arith.constant 192 : i32
    %add3A_37 = arith.addi %mul3A_2, %add3A_36 : i32
    %dma_start3A_38 = arith.constant 0 : i32
    %dma_start3A_39 = tpu.memref_slice %arg4[%add3A_37, %dma_start3A_38] : memref<18432x128xf32, #tpu.memory_space<hbm>> -> memref<192x128xf32, #tpu.memory_space<hbm>>
    %dma_start3A_40 = arith.constant 0 : i32
    %dma_start3A_41 = tpu.memref_slice %arg4[%add3A_37, %dma_start3A_40] : memref<18432x128xf32, #tpu.memory_space<hbm>> -> memref<192x128xf32, #tpu.memory_space<hbm>>
    tpu.enqueue_dma source(%arg7 : memref<192x128xf32, #tpu.memory_space<vmem>>) target(%dma_start3A_41 : memref<192x128xf32, #tpu.memory_space<hbm>>) target_semaphore(%arg11 : memref<!tpu.dma_semaphore, #tpu.memory_space<semaphore_mem>>)
    %dma_wait3A_42 = arith.constant 384 : i32
    %dma_wait3A_43 = tpu.memref_slice %arg5[%dma_wait3A_42] : memref<576xi32, #tpu.memory_space<vmem>> -> memref<192xi32, #tpu.memory_space<vmem>>
    %dma_wait3A_44 = arith.constant 0 : i32
    %dma_wait3A_45 = arith.constant 0 : i32
    %dma_wait3A_46 = tpu.memref_slice %arg2[%dma_wait3A_44, %dma_wait3A_45] : memref<1024x128xf32, #tpu.memory_space<hbm>> -> memref<1024x128xf32, #tpu.memory_space<hbm>>
    tpu.wait_indirect_dma semaphore(%arg8 : memref<!tpu.dma_semaphore, #tpu.memory_space<semaphore_mem>>) src(%dma_wait3A_46 : memref<1024x128xf32, #tpu.memory_space<hbm>>) dst(%arg6 : memref<192x128xf32, #tpu.memory_space<vmem>>)
    %add3A_47 = arith.constant 384 : i32
    %add3A_48 = arith.addi %mul3A_2, %add3A_47 : i32
    %dma_start3A_49 = arith.constant 0 : i32
    %dma_start3A_50 = tpu.memref_slice %arg4[%add3A_48, %dma_start3A_49] : memref<18432x128xf32, #tpu.memory_space<hbm>> -> memref<192x128xf32, #tpu.memory_space<hbm>>
    %dma_start3A_51 = arith.constant 0 : i32
    %dma_start3A_52 = tpu.memref_slice %arg4[%add3A_48, %dma_start3A_51] : memref<18432x128xf32, #tpu.memory_space<hbm>> -> memref<192x128xf32, #tpu.memory_space<hbm>>
    tpu.enqueue_dma source(%arg6 : memref<192x128xf32, #tpu.memory_space<vmem>>) target(%dma_start3A_52 : memref<192x128xf32, #tpu.memory_space<hbm>>) target_semaphore(%arg10 : memref<!tpu.dma_semaphore, #tpu.memory_space<semaphore_mem>>)
    %dma_wait3A_53 = arith.constant 0 : i32
    %dma_wait3A_54 = tpu.memref_slice %arg4[%add3A_48, %dma_wait3A_53] : memref<18432x128xf32, #tpu.memory_space<hbm>> -> memref<192x128xf32, #tpu.memory_space<hbm>>
    %dma_wait3A_55 = arith.constant 0 : i32
    %dma_wait3A_56 = tpu.memref_slice %arg4[%add3A_48, %dma_wait3A_55] : memref<18432x128xf32, #tpu.memory_space<hbm>> -> memref<192x128xf32, #tpu.memory_space<hbm>>
    tpu.wait_dma2 semaphore(%arg10 : memref<!tpu.dma_semaphore, #tpu.memory_space<semaphore_mem>>) src(%arg6 : memref<192x128xf32, #tpu.memory_space<vmem>>) dst(%dma_wait3A_56 : memref<192x128xf32, #tpu.memory_space<hbm>>)
    %dma_wait3A_57 = arith.constant 0 : i32
    %dma_wait3A_58 = tpu.memref_slice %arg4[%add3A_37, %dma_wait3A_57] : memref<18432x128xf32, #tpu.memory_space<hbm>> -> memref<192x128xf32, #tpu.memory_space<hbm>>
    %dma_wait3A_59 = arith.constant 0 : i32
    %dma_wait3A_60 = tpu.memref_slice %arg4[%add3A_37, %dma_wait3A_59] : memref<18432x128xf32, #tpu.memory_space<hbm>> -> memref<192x128xf32, #tpu.memory_space<hbm>>
    tpu.wait_dma2 semaphore(%arg11 : memref<!tpu.dma_semaphore, #tpu.memory_space<semaphore_mem>>) src(%arg7 : memref<192x128xf32, #tpu.memory_space<vmem>>) dst(%dma_wait3A_60 : memref<192x128xf32, #tpu.memory_space<hbm>>)
    return
  }
}

module attributes {stable_mosaic.version = 14 : i64} {
  func.func @_c2_body(%arg0: memref<1024x64xf32, #tpu.memory_space<vmem>>, %arg1: memref<1024x128xf32, #tpu.memory_space<vmem>>) attributes {dimension_semantics = [], scalar_prefetch = 0 : i64, scratch_operands = 0 : i64, tpu.core_type = #tpu.core_type<tc>} {
    %get3A = arith.constant 0 : index
    %get3A_0 = arith.constant 0 : index
    %get3A_1 = vector.load %arg0[%get3A, %get3A_0] : memref<1024x64xf32, #tpu.memory_space<vmem>>, vector<1024x64xf32>
    %mul3A = arith.mulf %get3A_1, %get3A_1 : vector<1024x64xf32>
    %slice3A = vector.extract_strided_slice %mul3A {offsets = [0, 0], sizes = [1024, 8], strides = [1, 1]} : vector<1024x64xf32> to vector<1024x8xf32>
    %slice3A_2 = vector.extract_strided_slice %mul3A {offsets = [0, 8], sizes = [1024, 8], strides = [1, 1]} : vector<1024x64xf32> to vector<1024x8xf32>
    %add3A = arith.addf %slice3A, %slice3A_2 : vector<1024x8xf32>
    %slice3A_3 = vector.extract_strided_slice %mul3A {offsets = [0, 16], sizes = [1024, 8], strides = [1, 1]} : vector<1024x64xf32> to vector<1024x8xf32>
    %add3A_4 = arith.addf %add3A, %slice3A_3 : vector<1024x8xf32>
    %slice3A_5 = vector.extract_strided_slice %mul3A {offsets = [0, 24], sizes = [1024, 8], strides = [1, 1]} : vector<1024x64xf32> to vector<1024x8xf32>
    %add3A_6 = arith.addf %add3A_4, %slice3A_5 : vector<1024x8xf32>
    %slice3A_7 = vector.extract_strided_slice %mul3A {offsets = [0, 32], sizes = [1024, 8], strides = [1, 1]} : vector<1024x64xf32> to vector<1024x8xf32>
    %add3A_8 = arith.addf %add3A_6, %slice3A_7 : vector<1024x8xf32>
    %slice3A_9 = vector.extract_strided_slice %mul3A {offsets = [0, 40], sizes = [1024, 8], strides = [1, 1]} : vector<1024x64xf32> to vector<1024x8xf32>
    %add3A_10 = arith.addf %add3A_8, %slice3A_9 : vector<1024x8xf32>
    %slice3A_11 = vector.extract_strided_slice %mul3A {offsets = [0, 48], sizes = [1024, 8], strides = [1, 1]} : vector<1024x64xf32> to vector<1024x8xf32>
    %add3A_12 = arith.addf %add3A_10, %slice3A_11 : vector<1024x8xf32>
    %slice3A_13 = vector.extract_strided_slice %mul3A {offsets = [0, 56], sizes = [1024, 8], strides = [1, 1]} : vector<1024x64xf32> to vector<1024x8xf32>
    %add3A_14 = arith.addf %add3A_12, %slice3A_13 : vector<1024x8xf32>
    %slice3A_15 = vector.extract_strided_slice %add3A_14 {offsets = [0, 0], sizes = [1024, 4], strides = [1, 1]} : vector<1024x8xf32> to vector<1024x4xf32>
    %slice3A_16 = vector.extract_strided_slice %add3A_14 {offsets = [0, 4], sizes = [1024, 4], strides = [1, 1]} : vector<1024x8xf32> to vector<1024x4xf32>
    %add3A_17 = arith.addf %slice3A_15, %slice3A_16 : vector<1024x4xf32>
    %slice3A_18 = vector.extract_strided_slice %add3A_17 {offsets = [0, 0], sizes = [1024, 2], strides = [1, 1]} : vector<1024x4xf32> to vector<1024x2xf32>
    %slice3A_19 = vector.extract_strided_slice %add3A_17 {offsets = [0, 2], sizes = [1024, 2], strides = [1, 1]} : vector<1024x4xf32> to vector<1024x2xf32>
    %add3A_20 = arith.addf %slice3A_18, %slice3A_19 : vector<1024x2xf32>
    %slice3A_21 = vector.extract_strided_slice %add3A_20 {offsets = [0, 0], sizes = [1024, 1], strides = [1, 1]} : vector<1024x2xf32> to vector<1024x1xf32>
    %slice3A_22 = vector.extract_strided_slice %add3A_20 {offsets = [0, 1], sizes = [1024, 1], strides = [1, 1]} : vector<1024x2xf32> to vector<1024x1xf32>
    %add3A_23 = arith.addf %slice3A_21, %slice3A_22 : vector<1024x1xf32>
    %broadcast_in_dim3A = vector.shape_cast %add3A_23 : vector<1024x1xf32> to vector<1024x1xf32>
    %broadcast_in_dim3A_24 = vector.broadcast %broadcast_in_dim3A : vector<1024x1xf32> to vector<1024x128xf32>
    %swap3A = arith.constant 0 : index
    %swap3A_25 = arith.constant 0 : index
    %swap3A_26 = vector.load %arg1[%swap3A, %swap3A_25] : memref<1024x128xf32, #tpu.memory_space<vmem>>, vector<1024x128xf32>
    tpu.vector_store %arg1[%swap3A, %swap3A_25], %broadcast_in_dim3A_24 {strides = array<i32>} : memref<1024x128xf32, #tpu.memory_space<vmem>>, vector<1024x128xf32>,
    return
  }
}

module attributes {stable_mosaic.version = 14 : i64} {
  func.func @_dist_argmax_body(%arg0: i32, %arg1: memref<1024x64xf32, #tpu.memory_space<vmem>>, %arg2: memref<1024x64xf32, #tpu.memory_space<vmem>>, %arg3: memref<1024x128xf32, #tpu.memory_space<vmem>>, %arg4: memref<1024xi32, #tpu.memory_space<vmem>>) attributes {dimension_semantics = [#tpu.dimension_semantics<arbitrary>], iteration_bounds = array<i64: 18>, scalar_prefetch = 0 : i64, scratch_operands = 0 : i64, tpu.core_type = #tpu.core_type<tc>, window_params = [{transform_indices = @transform_0, window_bounds = array<i64: 1024, 64>}, {pipeline_mode = #tpu.pipeline_mode<synchronous>, transform_indices = @transform_1, window_bounds = array<i64: 1024, 64>}, {pipeline_mode = #tpu.pipeline_mode<synchronous>, transform_indices = @transform_2, window_bounds = array<i64: 1024, 128>}, {transform_indices = @transform_3, window_bounds = array<i64: 1024>}]} {
    %get3A = arith.constant 0 : index
    %get3A_0 = arith.constant 0 : index
    %get3A_1 = vector.load %arg1[%get3A, %get3A_0] : memref<1024x64xf32, #tpu.memory_space<vmem>>, vector<1024x64xf32>
    %transpose3A = tpu.transpose %get3A_1, [1, 0] : vector<1024x64xf32> -> vector<64x1024xf32>
    %get3A_2 = arith.constant 0 : index
    %get3A_3 = arith.constant 0 : index
    %get3A_4 = vector.load %arg2[%get3A_2, %get3A_3] : memref<1024x64xf32, #tpu.memory_space<vmem>>, vector<1024x64xf32>
    %mul3A = arith.mulf %transpose3A, %transpose3A : vector<64x1024xf32>
    %slice3A = vector.extract_strided_slice %mul3A {offsets = [0, 0], sizes = [8, 1024], strides = [1, 1]} : vector<64x1024xf32> to vector<8x1024xf32>
    %slice3A_5 = vector.extract_strided_slice %mul3A {offsets = [8, 0], sizes = [8, 1024], strides = [1, 1]} : vector<64x1024xf32> to vector<8x1024xf32>
    %add3A = arith.addf %slice3A, %slice3A_5 : vector<8x1024xf32>
    %slice3A_6 = vector.extract_strided_slice %mul3A {offsets = [16, 0], sizes = [8, 1024], strides = [1, 1]} : vector<64x1024xf32> to vector<8x1024xf32>
    %add3A_7 = arith.addf %add3A, %slice3A_6 : vector<8x1024xf32>
    %slice3A_8 = vector.extract_strided_slice %mul3A {offsets = [24, 0], sizes = [8, 1024], strides = [1, 1]} : vector<64x1024xf32> to vector<8x1024xf32>
    %add3A_9 = arith.addf %add3A_7, %slice3A_8 : vector<8x1024xf32>
    %slice3A_10 = vector.extract_strided_slice %mul3A {offsets = [32, 0], sizes = [8, 1024], strides = [1, 1]} : vector<64x1024xf32> to vector<8x1024xf32>
    %add3A_11 = arith.addf %add3A_9, %slice3A_10 : vector<8x1024xf32>
    %slice3A_12 = vector.extract_strided_slice %mul3A {offsets = [40, 0], sizes = [8, 1024], strides = [1, 1]} : vector<64x1024xf32> to vector<8x1024xf32>
    %add3A_13 = arith.addf %add3A_11, %slice3A_12 : vector<8x1024xf32>
    %slice3A_14 = vector.extract_strided_slice %mul3A {offsets = [48, 0], sizes = [8, 1024], strides = [1, 1]} : vector<64x1024xf32> to vector<8x1024xf32>
    %add3A_15 = arith.addf %add3A_13, %slice3A_14 : vector<8x1024xf32>
    %slice3A_16 = vector.extract_strided_slice %mul3A {offsets = [56, 0], sizes = [8, 1024], strides = [1, 1]} : vector<64x1024xf32> to vector<8x1024xf32>
    %add3A_17 = arith.addf %add3A_15, %slice3A_16 : vector<8x1024xf32>
    %slice3A_18 = vector.extract_strided_slice %add3A_17 {offsets = [0, 0], sizes = [4, 1024], strides = [1, 1]} : vector<8x1024xf32> to vector<4x1024xf32>
    %slice3A_19 = vector.extract_strided_slice %add3A_17 {offsets = [4, 0], sizes = [4, 1024], strides = [1, 1]} : vector<8x1024xf32> to vector<4x1024xf32>
    %add3A_20 = arith.addf %slice3A_18, %slice3A_19 : vector<4x1024xf32>
    %slice3A_21 = vector.extract_strided_slice %add3A_20 {offsets = [0, 0], sizes = [2, 1024], strides = [1, 1]} : vector<4x1024xf32> to vector<2x1024xf32>
    %slice3A_22 = vector.extract_strided_slice %add3A_20 {offsets = [2, 0], sizes = [2, 1024], strides = [1, 1]} : vector<4x1024xf32> to vector<2x1024xf32>
    %add3A_23 = arith.addf %slice3A_21, %slice3A_22 : vector<2x1024xf32>
    %slice3A_24 = vector.extract_strided_slice %add3A_23 {offsets = [0, 0], sizes = [1, 1024], strides = [1, 1]} : vector<2x1024xf32> to vector<1x1024xf32>
    %slice3A_25 = vector.extract_strided_slice %add3A_23 {offsets = [1, 0], sizes = [1, 1024], strides = [1, 1]} : vector<2x1024xf32> to vector<1x1024xf32>
    %add3A_26 = arith.addf %slice3A_24, %slice3A_25 : vector<1x1024xf32>
    %get3A_27 = arith.constant 0 : index
    %get3A_28 = arith.constant 0 : index
    %get3A_29 = vector.load %arg3[%get3A_27, %get3A_28] : memref<1024x128xf32, #tpu.memory_space<vmem>>, vector<1024x128xf32>
    %slice3A_30 = vector.extract_strided_slice %get3A_29 {offsets = [0, 0], sizes = [1024, 1], strides = [1, 1]} : vector<1024x128xf32> to vector<1024x1xf32>
    %dot_general3A = arith.constant dense<0.000000e+00> : vector<1024x1024xf32>
    %dot_general3A_31 = tpu.matmul %get3A_4, %transpose3A, %dot_general3A {dimension_numbers = #tpu.dot_dimension_numbers<[1], [0], [0], [1], [0, 0, 1, 1], [], []>, transpose_lhs_hint = false} : vector<1024x64xf32>, vector<64x1024xf32>, vector<1024x1024xf32> -> vector<1024x1024xf32>
    %add3A_32 = vector.broadcast %add3A_26 : vector<1x1024xf32> to vector<1024x1024xf32>
    %add3A_33 = vector.broadcast %slice3A_30 : vector<1024x1xf32> to vector<1024x1024xf32>
    %add3A_34 = arith.addf %add3A_32, %add3A_33 : vector<1024x1024xf32>
    %mul3A_35 = arith.constant 2.000000e+00 : f32
    %mul3A_36 = vector.broadcast %mul3A_35 : f32 to vector<1024x1024xf32>
    %mul3A_37 = arith.mulf %mul3A_36, %dot_general3A_31 : vector<1024x1024xf32>
    %sub3A = arith.subf %add3A_34, %mul3A_37 : vector<1024x1024xf32>
    %max3A = arith.constant 0.000000e+00 : f32
    %max3A_38 = vector.broadcast %max3A : f32 to vector<1024x1024xf32>
    %max3A_39 = arith.maximumf %sub3A, %max3A_38 : vector<1024x1024xf32>
    %eq3A = arith.constant 0.000000e+00 : f32
    %eq3A_40 = vector.broadcast %eq3A : f32 to vector<1024x1024xf32>
    %eq3A_41 = arith.cmpf oeq, %max3A_39, %eq3A_40 : vector<1024x1024xf32>
    %rsqrt3A = math.rsqrt %max3A_39 : vector<1024x1024xf32>
    %mul3A_42 = arith.mulf %max3A_39, %rsqrt3A : vector<1024x1024xf32>
    %jit3A = arith.constant 0.000000e+00 : f32
    %broadcast_in_dim3A = vector.broadcast %jit3A : f32 to vector<1024x1024xf32>
    %select_n3A = arith.select %eq3A_41, %broadcast_in_dim3A, %mul3A_42 : vector<1024x1024xi1>, vector<1024x1024xf32>
    %reduce_max3A = arith.constant dense<0xFF800000> : vector<1024xf32>
    %reduce_max3A_43 = vector.multi_reduction <maximumf>, %select_n3A, %reduce_max3A [0] : vector<1024x1024xf32> to vector<1024xf32>
    %broadcast_in_dim3A_44 = vector.shape_cast %reduce_max3A_43 : vector<1024xf32> to vector<1x1024xf32>
    %iota3A = tpu.iota {dimensions = array<i32: 0>} : vector<1024x1024xi32>
    %eq3A_45 = vector.broadcast %broadcast_in_dim3A_44 : vector<1x1024xf32> to vector<1024x1024xf32>
    %eq3A_46 = arith.cmpf oeq, %select_n3A, %eq3A_45 : vector<1024x1024xf32>
    %jit3A_47 = arith.constant 1024 : i32
    %broadcast_in_dim3A_48 = vector.broadcast %jit3A_47 : i32 to vector<1024x1024xi32>
    %select_n3A_49 = arith.select %eq3A_46, %iota3A, %broadcast_in_dim3A_48 : vector<1024x1024xi1>, vector<1024x1024xi32>
    %reduce_min3A = arith.constant dense<2147483647> : vector<1024xi32>
    %reduce_min3A_50 = vector.multi_reduction <minsi>, %select_n3A_49, %reduce_min3A [0] : vector<1024x1024xi32> to vector<1024xi32>
    %swap3A = arith.constant 0 : index
    %swap3A_51 = vector.load %arg4[%swap3A] : memref<1024xi32, #tpu.memory_space<vmem>>, vector<1024xi32>
    tpu.vector_store %arg4[%swap3A], %reduce_min3A_50 {strides = array<i32>} : memref<1024xi32, #tpu.memory_space<vmem>>, vector<1024xi32>,
    return
  }
  func.func @transform_0(%arg0: i32) -> (i32, i32) {
    %c0_i32 = arith.constant 0 : i32
    %c0_i32_0 = arith.constant 0 : i32
    return %arg0, %c0_i32 : i32, i32
  }
  func.func @transform_1(%arg0: i32) -> (i32, i32) {
    %c0_i32 = arith.constant 0 : i32
    %c0_i32_0 = arith.constant 0 : i32
    %c0_i32_1 = arith.constant 0 : i32
    return %c0_i32, %c0_i32_0 : i32, i32
  }
  func.func @transform_2(%arg0: i32) -> (i32, i32) {
    %c0_i32 = arith.constant 0 : i32
    %c0_i32_0 = arith.constant 0 : i32
    %c0_i32_1 = arith.constant 0 : i32
    return %c0_i32, %c0_i32_0 : i32, i32
  }
  func.func @transform_3(%arg0: i32) -> i32 {
    %c0_i32 = arith.constant 0 : i32
    return %arg0 : i32
  }
}

</mosaic_0001>

<sc_bundles>
// kernel: kernel.11.cloned.1.call-start
scs
__scs_entry_jumppad:
0x0: {  	(pc) =	sbr.rel $0x88, $3  }
0x1: {  	(tag) =	ssettag $0x0;
	lr =	simm.s32 $0x1  }
0x2: {  	[smem:$0x3F9F] =	sst lr;
	_ =	strace $0xD0000000  }
0x3: {  	_ = 	snop  }
0x4: {  	_ = 	snop  }
0x5: {  	_ = 	snop  }
0x6: {  	_ = 	snop  }
0x7: {  	_ = 	snop  }
__scs_overlays_trampoline_lowered:
0x8: {  	[smem:$0x3FAE] =	sst s0  }
0x9: {  	[smem:$0x3FAF] =	sst s1  }
0xa: {  	[smem:$0x3FB0] =	sst s2  }
0xb: {  	[smem:$0x3FB1] =	sst s3  }
0xc: {  	[smem:$0x3FB2] =	sst s4  }
0xd: {  	[smem:$0x3FB3] =	sst s5  }
0xe: {  	[smem:$0x3FB4] =	sst s6  }
0xf: {  	[smem:$0x3FB5] =	sst s7  }
0x10: {  	[smem:$0x3FB6] =	sst s8  }
0x11: {  	[smem:$0x3FB7] =	sst s9;
	s0 =	simm.s32 @!p0 $0x0  }
0x12: {  	s1 =	sld [smem:$0x3F9D];
	s0 =	simm.s32 @p0 $0x1  }
0x13: {  	[smem:$0x3FB8] =	sst s0;
	s0 =	simm.s32 @!p1 $0x0  }
0x14: {  	s2 =	sld [smem:$0x3F9C];
	s0 =	simm.s32 @p1 $0x1  }
0x15: {  	[smem:$0x3FB9] =	sst s0;
	s0 =	simm.s32 @!p2 $0x0  }
0x16: {  	s3 =	sld [smem:$0x3FDB];
	s0 =	simm.s32 @p2 $0x1  }
0x17: {  	s4 =	simm.s32 $0x1BF5;
	[smem:$0x3FBB] =	sst s0  }
0x18: {  	s0 =	sld [smem:$0x3F9E];
	_ =	swait.ge [sflag:s4], $0x0  }
0x19: {  	s7 =	sld [smem:$0x3F9F]  }
0x1a: {  	s8 =	sadd.s32 $0xFFFFE003, lr  }
0x1b: {  	s9 =	sadd.s32 $0xFFFFFEF7, lr;
	s5 =	simm.s32 $0xFFFFFFFF;
	p2 =	slt.u32 s8, $0xFFFFF086  }
0x1c: {  	p1 =	slt.u32 s9, $0xF7A;
	s5 =	simm.s32 @!p2 $0x0  }
0x1d: {  	s5 =	simm.s32 @p1 $0x1;
	p0 =	seq.s32 s7, s2  }
0x1e: {  	s7 =	smul.u32 @!p0 $0xF7A, s2;
	p2 =	seq.s32 @!p0 s5, $0x0  }
0x1f: {  	s9 =	smul.u32 $0xF7A, s1;
	s8 =	simm.s32 @!p0 $0x1BF5;
	p2 =	por !p2, p0  }
0x20: {  	[sflag:s8] =	ssyncset.s32 @!p0 $0xFFFFF086;
	s6 =	sadd.s32 @!p0 s3, s7;
	s7 =	simm.s32 @!p0 $0x108  }
0x21: {  	s3 =	sadd.s32 s3, s9;
	s6 =	sadd.s32 @!p0 $0x88, s6;
	s7 =	simm.s32 @p2 $0x1082  }
0x22: {  	[simem:s7], [sflag:s8] =	dma.local @!p0 [hbm:s6], $0xF7A  }
0x23: {  	s9 =	sor.u32 $0xD0000000, s2;
	s6 =	simm.s32 $0x108;
	_ =	swait.ge @!p0 [sflag:s8], $0x0  }
0x24: {  	s3 =	sadd.s32 $0x88, s3;
	s6 =	simm.s32 @!p1 $0x1082;
	[sflag:s4] =	ssyncset.s32 $0xFFFFF086  }
0x25: {  	[simem:s6], [sflag:s4] =	dma.local [hbm:s3], $0xF7A  }
0x26: {  	[smem:$0x3F9F] =	sst s1;
	(tag) =	ssettag s2;
	_ =	strace s9  }
0x27: {  	s1 =	sld [smem:$0x3FAF]  }
0x28: {  	s2 =	sld [smem:$0x3FB0]  }
0x29: {  	s4 =	sld [smem:$0x3FB2]  }
0x2a: {  	p0 =	seq.s32 s5, $0x0;
	s5 =	sld [smem:$0x3FB3]  }
0x2b: {  	s6 =	sld [smem:$0x3FB4]  }
0x2c: {  	s7 =	sld [smem:$0x3FB5]  }
0x2d: {  	s3 =	simm.s32 $0x108;
	s8 =	sld [smem:$0x3FB6]  }
0x2e: {  	s3 =	simm.s32 @!p0 $0x1082;
	s9 =	sld [smem:$0x3FB7]  }
0x2f: {  	lr =	sadd.s32 s0, s3;
	s0 =	sld [smem:$0x3FAE]  }
0x30: {  	s3 =	sld [smem:$0x3FB1]  }
0x31: {  	[smem:$0x3FBA] =	sst s10  }
0x32: {  	s10 =	sld [smem:$0x3FB8];
	_ =	sdelay $0x3  }
0x33: {  	p0 =	seq.s32 s10, $0x1;
	s10 =	sld [smem:$0x3FBA];
	_ =	sdelay $0x3  }
0x34: {  	[smem:$0x3FBA] =	sst s10  }
0x35: {  	s10 =	sld [smem:$0x3FB9];
	_ =	sdelay $0x3  }
0x36: {  	p1 =	seq.s32 s10, $0x1;
	s10 =	sld [smem:$0x3FBA];
	_ =	sdelay $0x3  }
0x37: {  	[smem:$0x3FBA] =	sst s10  }
0x38: {  	s10 =	sld [smem:$0x3FBB]  }
0x39: {  	_ = 	snop;
	(pc) =	sbr.ind lr, $3  }
0x3a: {  	_ = 	snop  }
0x3b: {  	_ = 	snop  }
0x3c: {  	p2 =	seq.s32 s10, $0x1;
	s10 =	sld [smem:$0x3FBA]  }
0x3d: {  	_ =	shalt  }
0x3e: {  	_ =	shalt  }
0x3f: {  	_ =	shalt  }
0x40: {  	_ =	shalt  }
0x41: {  	_ =	shalt  }
0x42: {  	_ =	shalt  }
0x43: {  	_ =	shalt  }
0x44: {  	_ =	shalt  }
0x45: {  	_ =	shalt  }
0x46: {  	_ =	shalt  }
0x47: {  	_ =	shalt  }
0x48: {  	_ =	shalt  }
0x49: {  	_ =	shalt  }
0x4a: {  	_ =	shalt  }
0x4b: {  	_ =	shalt  }
0x4c: {  	_ =	shalt  }
0x4d: {  	_ =	shalt  }
0x4e: {  	_ =	shalt  }
0x4f: {  	_ =	shalt  }
0x50: {  	_ =	shalt  }
0x51: {  	_ =	shalt  }
0x52: {  	_ =	shalt  }
0x53: {  	_ =	shalt  }
0x54: {  	_ =	shalt  }
0x55: {  	_ =	shalt  }
0x56: {  	_ =	shalt  }
0x57: {  	_ =	shalt  }
0x58: {  	_ =	shalt  }
0x59: {  	_ =	shalt  }
0x5a: {  	_ =	shalt  }
0x5b: {  	_ =	shalt  }
0x5c: {  	_ =	shalt  }
0x5d: {  	_ =	shalt  }
0x5e: {  	_ =	shalt  }
0x5f: {  	_ =	shalt  }
0x60: {  	_ =	shalt  }
0x61: {  	_ =	shalt  }
0x62: {  	_ =	shalt  }
0x63: {  	_ =	shalt  }
0x64: {  	_ =	shalt  }
0x65: {  	_ =	shalt  }
0x66: {  	_ =	shalt  }
0x67: {  	_ =	shalt  }
0x68: {  	_ =	shalt  }
0x69: {  	_ =	shalt  }
0x6a: {  	_ =	shalt  }
0x6b: {  	_ =	shalt  }
0x6c: {  	_ =	shalt  }
0x6d: {  	_ =	shalt  }
0x6e: {  	_ =	shalt  }
0x6f: {  	_ =	shalt  }
0x70: {  	_ =	shalt  }
0x71: {  	_ =	shalt  }
0x72: {  	_ =	shalt  }
0x73: {  	_ =	shalt  }
0x74: {  	_ =	shalt  }
0x75: {  	_ =	shalt  }
0x76: {  	_ =	shalt  }
0x77: {  	_ =	shalt  }
0x78: {  	_ =	shalt  }
0x79: {  	_ =	shalt  }
0x7a: {  	_ =	shalt  }
0x7b: {  	_ =	shalt  }
0x7c: {  	_ =	shalt  }
0x7d: {  	_ =	shalt  }
0x7e: {  	_ =	shalt  }
0x7f: {  	_ =	shalt  }
0x80: {  	_ =	shalt  }
0x81: {  	_ =	shalt  }
0x82: {  	_ =	shalt  }
0x83: {  	_ =	shalt  }
0x84: {  	_ =	shalt  }
0x85: {  	_ =	shalt  }
0x86: {  	_ =	shalt  }
0x87: {  	_ =	shalt  }
.Lfunc_end0:
.L_simem_size_0:
called_computation.1_lowered:
.L_overlay_start_0:
0x88: {  	s2 =	sld [smem:$0x3FD9]  }
0x89: {  	s3 =	sld [smem:$0x3FFE];
	_ =	sdelay $0x1  }
0x8a: {  	s1 =	srdreg.scid  }
0x8b: {  	s0 =	sand.u32 $0x1, s1  }
0x8c: {  	s16 =	sshll.u32 s0, $0xA;
	s2 =	sadd.s32 s3, s2  }
0x8d: {  	s2 =	sadd.s32 s2, s16  }
0x8e: {  	[smem:$0x3FC6] =	sst s2  }
0x8f: {  	_ = 	snop  }
0x90: {  	(tm) =	ssettm $0x1  }
0x91: {  	s17 =	sld [smem:$0x3FFB];
	_ =	sdelay $0x3  }
0x92: {  	_ =	strace s17  }
0x93: {  	s2 =	sld [smem:$0x3FFC];
	_ =	sdelay $0x3  }
0x94: {  	_ =	strace s2  }
0x95: {  	s2 =	sld [smem:$0x3FFD];
	_ =	sdelay $0x3  }
0x96: {  	_ =	strace s2  }
0x97: {  	_ =	strace $0x8FFFFFFF  }
0x98: {  	s18 =	sld [smem:$0x3FDB];
	_ =	sdelay $0x1  }
0x99: {  	s19 =	simm.s32 $_scs_section_size  }
0x9a: {  	s4 =	simm.s32 $_size__tile_overlayer_lowered;
	s5 =	simm.s32 $_tile_overlayer_lowered  }
0x9b: {  	s22 =	simm.s32 $0x1BFF;
	s21 =	sshll.u32 s5, $0x1;
	s2 =	sadd.s32 s19, s18  }
0x9c: {  	s6 =	simm.s32 $0x0;
	s20 =	sshll.u32 s4, $0x1;
	s4 =	sadd.s32 s21, s2  }
0x9d: {  	[timem:s6], [sflag:s22] =	dma.local [hbm:s4], s20  }
0x9e: {  	_ =	swait.ge [sflag:s22], s20  }
0x9f: {  	s3 =	ssub.s32 $0x0, s20;
	[sflag:s22] =	ssyncset.done $0x0  }
0xa0: {  	[sflag:s22] =	ssyncadd.s32 s3;
	_ =	sdelay $0x1  }
0xa1: {  	s23 =	simm.s32 $0x1B8B  }
0xa2: {  	_ =	swait.ge [sflag:s23], $0x1  }
0xa3: {  	[sflag:s23] =	ssyncset.done $0x0  }
0xa4: {  	s25 =	simm.s32 $0x1B8E;
	s24 =	sld [smem:$0x3FFE];
	[sflag:s23] =	ssyncadd.s32 $0xFFFFFFFF  }
0xa5: {  	s26 =	simm.s32 $execute0_lowered;
	[smem:$0x3FD2] =	sst s25  }
0xa6: {  	s4 =	sshll.u32 s26, $0x1;
	_ =	strace $0x80000046;
	[dreg:$0x1] =	wrdreg $0xFFFFFFFF  }
0xa7: {  	s28 =	simm.s32 $_size_execute0_lowered;
	s2 =	sadd.s32 s2, s4;
	[dreg:$0x0] =	wrdreg $0x0  }
0xa8: {  	s4 =	sshll.u32 s28, $0x1;
	[dreg:$0x2] =	wrdreg s2  }
0xa9: {  	[dreg:$0x3] =	wrdreg s4  }
0xaa: {  	[dreg:$0x4] =	wrdreg $0xC0  }
0xab: {  	_ =	task [dreg:s6], $0x5FFFF  }
0xac: {  	[dreg:$0x1] =	wrdreg $0xFFFFFFFF  }
0xad: {  	[dreg:$0x0] =	wrdreg $0x60  }
0xae: {  	[dreg:$0x2] =	wrdreg s24  }
0xaf: {  	[dreg:$0x3] =	wrdreg $0xA  }
0xb0: {  	_ =	task.clear_ibuf [dreg:s6], $0x4FFFF;
	_ =	strace $0x90000046  }
0xb1: {  	s29 =	simm.s32 $0xA;
	_ =	strace $0x80000048  }
0xb2: {  	_ =	swait.ge [sflag:s29], $0x1  }
0xb3: {  	[sflag:s29] =	ssyncadd.s32 $0xFFFFFFFF  }
0xb4: {  	_ =	strace $0x90000048  }
0xb5: {  	_ =	sfence  }
0xb6: {  	s30 =	sld [smem:$0x0];
	_ =	sdelay $0x2  }
0xb7: {  	s31 =	sshll.u32 s1, $0xD;
	s1 =	sshrl.u32 s1, $0x2  }
0xb8: {  	s3 =	sand.u32 $0x4000, s31;
	s1 =	sadd.s32 s1, s30  }
0xb9: {  	s0 =	sor.u32 s3, s0;
	s1 =	sshll.u32 s1, $0x11  }
0xba: {  	s0 =	sor.u32 s1, s0  }
0xbb: {  	s0 =	sadd.s32 $0x8F2B, s0  }
0xbc: {  	[sflag:s0] =	ssyncadd.remote.s32 $0x1  }
0xbd: {  	_ =	sfence.sel $0xFFFF  }
0xbe: {  	[dreg:$0x0] =	wrdreg $0xFFFFFFFF;
	(pc) =	sbr.abs _section_cstart, $3  }
0xbf: {  	[dreg:$0x1] =	wrdreg $0xFFFFFFFF  }
0xc0: {  	_ =	task.clear_ibuf [dreg:s6], $0x2FFFF;
	_ =	strace $0x9FFFFFFF  }
0xc1: {  	(tm) =	ssettm $0x7FFFFFFF  }
tec
execute0_lowered:
.L_overlay_start_1:
0x0: {  	(tag) =	ssettag $0x1  }
0x1: {  	s1 =	srdreg.scid;
	s0 =	stileid.u32  }
0x2: {  	s15 =	sand.u32 $0x1, s1;
	s30 =	sshll.u32 s0, $0x1  }
0x3: {  	s12 =	sor.u32 s15, s30  }
0x4: {  	s3 =	smul.u32 $0x48, s12  }
0x5: {  	s9 =	rddreg [dreg:$0x0];
	s2 =	simm.s32 $0x0  }
0x6: {  	s4 =	simm.s32 $0x5;
	[smem:$0x7FF] =	sst s2;
	s3 =	sadd.s32 s3, s9  }
0x7: {  	s1 =	rddreg [dreg:$0x1];
	_ =	strace $0x80000047;
	s3 =	sadd.s32 $0x5000, s3  }
0x8: {  	[tilespmem:s2], [sflag:$0x5] =	stream.linear.gather [hbm4b:s3+s2], $0x240, $0x38;
	[tilespmem:$0xC280] =	vst v63  }
0x9: {  	_ =	swait.ge [sflag:s4], $0x240  }
0xa: {  	s6 =	simm.s32 $0xC0;
	s7 =	simm.s32 $0x280;
	[sflag:s4] =	ssyncset.done $0x0  }
0xb: {  	s8 =	simm.s32 $0x1;
	s5 =	sadd.s32 $0x1000, s9;
	[sflag:s4] =	ssyncadd.s32 $0xFFFFFDC0  }
0xc: {  	[tilespmem:s7], [sflag:$0x1] =	stream.indirect.gather [hbm4b:s5+s6], $0x80, s2, s6, $0xb8;
	[tilespmem:$0xC280] =	vst v63  }
0xd: {  	_ =	swait.ge [sflag:s8], $0x6000  }
0xe: {  	s13 =	sadd.s32 $0x5A00, s9;
	[sflag:s8] =	ssyncset.done $0x0  }
0xf: {  	s10 =	smul.u32 $0x2400, s12;
	s9 =	simm.s32 $0x6280;
	[sflag:s8] =	ssyncadd.s32 $0xFFFFA000  }
0x10: {  	[tilespmem:s9], [sflag:$0x2] =	stream.indirect.gather [hbm4b:s5+s6], $0x80, s6, s6, $0xb8;
	[tilespmem:$0xC280] =	vst v63  }
0x11: {  	s11 =	simm.s32 $0x2;
	s10 =	sadd.s32 s13, s10  }
0x12: {  	[hbm4b:s10+s2] =	stream.linear.scatter [tilespmem:s7], [sflag:$0x3], $0x6000, $0x38;
	[tilespmem:$0xC280] =	vst v63  }
0x13: {  	_ =	swait.ge [sflag:s11], $0x6000  }
0x14: {  	[sflag:s11] =	ssyncset.done $0x0  }
0x15: {  	s14 =	smul.u32 $0x12000, s12;
	s12 =	simm.s32 $0x3;
	[sflag:s11] =	ssyncadd.s32 $0xFFFFA000  }
0x16: {  	_ =	swait.ge [sflag:s12], $0x6000  }
0x17: {  	s17 =	ssub.s32 $0x2, s15;
	s14 =	sshrl.u32 s14, $0x3;
	[sflag:s12] =	ssyncset.done $0x0  }
0x18: {  	s16 =	sadd.s32 s13, s14;
	s13 =	simm.s32 $0x180;
	[sflag:s12] =	ssyncadd.s32 $0xFFFFA000  }
0x19: {  	[tilespmem:s7], [sflag:$0x1] =	stream.indirect.gather [hbm4b:s5+s6], $0x80, s13, s6, $0xb8;
	[tilespmem:$0xC280] =	vst v63  }
0x1a: {  	s31 =	sshrl.u32 s17, $0x1;
	s14 =	sadd.s32 $0xC00, s16  }
0x1b: {  	[hbm4b:s14+s2] =	stream.linear.scatter [tilespmem:s9], [sflag:$0x4], $0x6000, $0x38;
	[tilespmem:$0xC280] =	vst v63  }
0x1c: {  	s15 =	sadd.s32 $0x1800, s16;
	s16 =	ssub.s32 s17, s31;
	_ =	swait.ge [sflag:s8], $0x6000  }
0x1d: {  	s17 =	smax.u32 s16, $0x1;
	[sflag:s8] =	ssyncset.done $0x0  }
0x1e: {  	p0 =	sne.s32 s17, $0x1;
	[sflag:s8] =	ssyncadd.s32 $0xFFFFA000  }
0x1f: {  	[hbm4b:s15+s2] =	stream.linear.scatter [tilespmem:s7], [sflag:$0x3], $0x6000, $0x38;
	[tilespmem:$0xC280] =	vst v63  }
.Ltmp0:
0x20: {  	_ =	swait.ge [sflag:s12], $0x6000;
	(pc) =	sbr.rel @!p0 .LBB2_2-.Ltmp0, $4  }
0x21: {  	[sflag:s12] =	ssyncset.done $0x0  }
0x22: {  	s16 =	simm.s32 $0x4;
	[sflag:s12] =	ssyncadd.s32 $0xFFFFA000  }
0x23: {  	_ =	swait.ge [sflag:s16], $0x6000  }
0x24: {  	s17 =	sadd.s32 $0xFFFFFFFF, s17;
	[sflag:s16] =	ssyncset.done $0x0  }
.LBB2_1:
0x25: {  	p0 =	sne.s32 s17, $0x1;
	s17 =	sadd.s32 $0xFFFFFFFF, s17;
	[sflag:s16] =	ssyncadd.s32 $0xFFFFA000  }
0x26: {  	[tilespmem:s2], [sflag:$0x5] =	stream.linear.gather [hbm4b:s3+s2], $0x240, $0x38;
	[tilespmem:$0xC280] =	vst v63  }
0x27: {  	_ =	swait.ge [sflag:s4], $0x240  }
0x28: {  	[sflag:s4] =	ssyncset.done $0x0  }
0x29: {  	[sflag:s4] =	ssyncadd.s32 $0xFFFFFDC0  }
0x2a: {  	[tilespmem:s7], [sflag:$0x1] =	stream.indirect.gather [hbm4b:s5+s6], $0x80, s2, s6, $0xb8;
	[tilespmem:$0xC280] =	vst v63  }
0x2b: {  	_ =	swait.ge [sflag:s8], $0x6000  }
0x2c: {  	[sflag:s8] =	ssyncset.done $0x0  }
0x2d: {  	[sflag:s8] =	ssyncadd.s32 $0xFFFFA000  }
0x2e: {  	[tilespmem:s9], [sflag:$0x2] =	stream.indirect.gather [hbm4b:s5+s6], $0x80, s6, s6, $0xb8;
	[tilespmem:$0xC280] =	vst v63  }
0x2f: {  	_ = 	snop  }
0x30: {  	[hbm4b:s10+s2] =	stream.linear.scatter [tilespmem:s7], [sflag:$0x3], $0x6000, $0x38;
	[tilespmem:$0xC280] =	vst v63  }
0x31: {  	_ =	swait.ge [sflag:s11], $0x6000  }
0x32: {  	[sflag:s11] =	ssyncset.done $0x0  }
0x33: {  	[sflag:s11] =	ssyncadd.s32 $0xFFFFA000  }
0x34: {  	_ =	swait.ge [sflag:s12], $0x6000  }
0x35: {  	[sflag:s12] =	ssyncset.done $0x0  }
0x36: {  	[sflag:s12] =	ssyncadd.s32 $0xFFFFA000  }
0x37: {  	[tilespmem:s7], [sflag:$0x1] =	stream.indirect.gather [hbm4b:s5+s6], $0x80, s13, s6, $0xb8;
	[tilespmem:$0xC280] =	vst v63  }
0x38: {  	_ = 	snop  }
0x39: {  	[hbm4b:s14+s2] =	stream.linear.scatter [tilespmem:s9], [sflag:$0x4], $0x6000, $0x38;
	[tilespmem:$0xC280] =	vst v63  }
0x3a: {  	_ =	swait.ge [sflag:s8], $0x6000  }
0x3b: {  	[sflag:s8] =	ssyncset.done $0x0  }
0x3c: {  	[sflag:s8] =	ssyncadd.s32 $0xFFFFA000  }
0x3d: {  	[hbm4b:s15+s2] =	stream.linear.scatter [tilespmem:s7], [sflag:$0x3], $0x6000, $0x38;
	[tilespmem:$0xC280] =	vst v63  }
.Ltmp1:
0x3e: {  	_ =	swait.ge [sflag:s12], $0x6000;
	(pc) =	sbr.rel @p0 .LBB2_1-.Ltmp1, $4  }
0x3f: {  	[sflag:s12] =	ssyncset.done $0x0  }
0x40: {  	[sflag:s12] =	ssyncadd.s32 $0xFFFFA000  }
0x41: {  	_ =	swait.ge [sflag:s16], $0x6000  }
0x42: {  	[sflag:s16] =	ssyncset.done $0x0  }
.LBB2_2:
0x43: {  	[sflag:s16] =	ssyncadd.s32 $0xFFFFA000  }
0x44: {  	_ =	sfence.sel $0x180000  }
0x45: {  	[bflag:$0x0] =	sbarrier.arrive $0xFFFF  }
0x46: {  	p0 =	sne.s32 s0, $0x0;
	_ =	strace $0x90000047  }
0x47: {  	s0 =	sadd.s32 @!p0 $0x100000, s1;
	[bflag:$0x2] =	sbarrier.arrive $0xFFFF  }
0x48: {  	[sflag:s0] =	ssyncadd.tile.s32 @!p0 $0x1;
	_ =	shalt  }
.Lfunc_end2:
_tile_overlayer_lowered:
.L_overlay_start_2:
0x49: {  	(tag) =	ssettag $0x2  }
0x4a: {  	s0 =	rddreg [dreg:$0x0];
	s2 =	stileid.u32  }
0x4b: {  	s1 =	rddreg [dreg:$0x1];
	p0 =	sne.s32 s2, $0x0  }
0x4c: {  	s3 =	rddreg [dreg:$0x2];
	[bflag:$0x3] =	sbarrier.arrive $0xFFFF;
	s2 =	simm.s32 @!p0 $0x1C05  }
0x4d: {  	[timem:s3], [sflag:s2] =	dma.local @!p0 [hbm:s0], s1  }
0x4e: {  	s0 =	simm.s32 @!p0 $0x5  }
0x4f: {  	_ =	swait.ge @!p0 [sflag:s0], s1  }
0x50: {  	s1 =	ssub.s32 @!p0 $0x0, s1;
	[sflag:s0] =	ssyncset.done @!p0 $0x0  }
0x51: {  	[sflag:s0] =	ssyncadd.s32 @!p0 s1  }
0x52: {  	[bflag:$0x3] =	sbarrier.arrive $0xFFFF  }
0x53: {  	_ =	shalt  }

// kernel: kernel.8.cloned.1.call-start
scs
__scs_entry_jumppad:
0x0: {  	(pc) =	sbr.rel $0x88, $3  }
0x1: {  	(tag) =	ssettag $0x0;
	lr =	simm.s32 $0x1  }
0x2: {  	[smem:$0x3F9F] =	sst lr;
	_ =	strace $0xD0000000  }
0x3: {  	_ = 	snop  }
0x4: {  	_ = 	snop  }
0x5: {  	_ = 	snop  }
0x6: {  	_ = 	snop  }
0x7: {  	_ = 	snop  }
__scs_overlays_trampoline_lowered:
0x8: {  	[smem:$0x3FAE] =	sst s0  }
0x9: {  	[smem:$0x3FAF] =	sst s1  }
0xa: {  	[smem:$0x3FB0] =	sst s2  }
0xb: {  	[smem:$0x3FB1] =	sst s3  }
0xc: {  	[smem:$0x3FB2] =	sst s4  }
0xd: {  	[smem:$0x3FB3] =	sst s5  }
0xe: {  	[smem:$0x3FB4] =	sst s6  }
0xf: {  	[smem:$0x3FB5] =	sst s7  }
0x10: {  	[smem:$0x3FB6] =	sst s8  }
0x11: {  	[smem:$0x3FB7] =	sst s9;
	s0 =	simm.s32 @!p0 $0x0  }
0x12: {  	s1 =	sld [smem:$0x3F9D];
	s0 =	simm.s32 @p0 $0x1  }
0x13: {  	[smem:$0x3FB8] =	sst s0;
	s0 =	simm.s32 @!p1 $0x0  }
0x14: {  	s2 =	sld [smem:$0x3F9C];
	s0 =	simm.s32 @p1 $0x1  }
0x15: {  	[smem:$0x3FB9] =	sst s0;
	s0 =	simm.s32 @!p2 $0x0  }
0x16: {  	s3 =	sld [smem:$0x3FDB];
	s0 =	simm.s32 @p2 $0x1  }
0x17: {  	s4 =	simm.s32 $0x1BF5;
	[smem:$0x3FBB] =	sst s0  }
0x18: {  	s0 =	sld [smem:$0x3F9E];
	_ =	swait.ge [sflag:s4], $0x0  }
0x19: {  	s7 =	sld [smem:$0x3F9F]  }
0x1a: {  	s8 =	sadd.s32 $0xFFFFE003, lr  }
0x1b: {  	s9 =	sadd.s32 $0xFFFFFEF7, lr;
	s5 =	simm.s32 $0xFFFFFFFF;
	p2 =	slt.u32 s8, $0xFFFFF086  }
0x1c: {  	p1 =	slt.u32 s9, $0xF7A;
	s5 =	simm.s32 @!p2 $0x0  }
0x1d: {  	s5 =	simm.s32 @p1 $0x1;
	p0 =	seq.s32 s7, s2  }
0x1e: {  	s7 =	smul.u32 @!p0 $0xF7A, s2;
	p2 =	seq.s32 @!p0 s5, $0x0  }
0x1f: {  	s9 =	smul.u32 $0xF7A, s1;
	s8 =	simm.s32 @!p0 $0x1BF5;
	p2 =	por !p2, p0  }
0x20: {  	[sflag:s8] =	ssyncset.s32 @!p0 $0xFFFFF086;
	s6 =	sadd.s32 @!p0 s3, s7;
	s7 =	simm.s32 @!p0 $0x108  }
0x21: {  	s3 =	sadd.s32 s3, s9;
	s6 =	sadd.s32 @!p0 $0x88, s6;
	s7 =	simm.s32 @p2 $0x1082  }
0x22: {  	[simem:s7], [sflag:s8] =	dma.local @!p0 [hbm:s6], $0xF7A  }
0x23: {  	s9 =	sor.u32 $0xD0000000, s2;
	s6 =	simm.s32 $0x108;
	_ =	swait.ge @!p0 [sflag:s8], $0x0  }
0x24: {  	s3 =	sadd.s32 $0x88, s3;
	s6 =	simm.s32 @!p1 $0x1082;
	[sflag:s4] =	ssyncset.s32 $0xFFFFF086  }
0x25: {  	[simem:s6], [sflag:s4] =	dma.local [hbm:s3], $0xF7A  }
0x26: {  	[smem:$0x3F9F] =	sst s1;
	(tag) =	ssettag s2;
	_ =	strace s9  }
0x27: {  	s1 =	sld [smem:$0x3FAF]  }
0x28: {  	s2 =	sld [smem:$0x3FB0]  }
0x29: {  	s4 =	sld [smem:$0x3FB2]  }
0x2a: {  	p0 =	seq.s32 s5, $0x0;
	s5 =	sld [smem:$0x3FB3]  }
0x2b: {  	s6 =	sld [smem:$0x3FB4]  }
0x2c: {  	s7 =	sld [smem:$0x3FB5]  }
0x2d: {  	s3 =	simm.s32 $0x108;
	s8 =	sld [smem:$0x3FB6]  }
0x2e: {  	s3 =	simm.s32 @!p0 $0x1082;
	s9 =	sld [smem:$0x3FB7]  }
0x2f: {  	lr =	sadd.s32 s0, s3;
	s0 =	sld [smem:$0x3FAE]  }
0x30: {  	s3 =	sld [smem:$0x3FB1]  }
0x31: {  	[smem:$0x3FBA] =	sst s10  }
0x32: {  	s10 =	sld [smem:$0x3FB8];
	_ =	sdelay $0x3  }
0x33: {  	p0 =	seq.s32 s10, $0x1;
	s10 =	sld [smem:$0x3FBA];
	_ =	sdelay $0x3  }
0x34: {  	[smem:$0x3FBA] =	sst s10  }
0x35: {  	s10 =	sld [smem:$0x3FB9];
	_ =	sdelay $0x3  }
0x36: {  	p1 =	seq.s32 s10, $0x1;
	s10 =	sld [smem:$0x3FBA];
	_ =	sdelay $0x3  }
0x37: {  	[smem:$0x3FBA] =	sst s10  }
0x38: {  	s10 =	sld [smem:$0x3FBB]  }
0x39: {  	_ = 	snop;
	(pc) =	sbr.ind lr, $3  }
0x3a: {  	_ = 	snop  }
0x3b: {  	_ = 	snop  }
0x3c: {  	p2 =	seq.s32 s10, $0x1;
	s10 =	sld [smem:$0x3FBA]  }
0x3d: {  	_ =	shalt  }
0x3e: {  	_ =	shalt  }
0x3f: {  	_ =	shalt  }
0x40: {  	_ =	shalt  }
0x41: {  	_ =	shalt  }
0x42: {  	_ =	shalt  }
0x43: {  	_ =	shalt  }
0x44: {  	_ =	shalt  }
0x45: {  	_ =	shalt  }
0x46: {  	_ =	shalt  }
0x47: {  	_ =	shalt  }
0x48: {  	_ =	shalt  }
0x49: {  	_ =	shalt  }
0x4a: {  	_ =	shalt  }
0x4b: {  	_ =	shalt  }
0x4c: {  	_ =	shalt  }
0x4d: {  	_ =	shalt  }
0x4e: {  	_ =	shalt  }
0x4f: {  	_ =	shalt  }
0x50: {  	_ =	shalt  }
0x51: {  	_ =	shalt  }
0x52: {  	_ =	shalt  }
0x53: {  	_ =	shalt  }
0x54: {  	_ =	shalt  }
0x55: {  	_ =	shalt  }
0x56: {  	_ =	shalt  }
0x57: {  	_ =	shalt  }
0x58: {  	_ =	shalt  }
0x59: {  	_ =	shalt  }
0x5a: {  	_ =	shalt  }
0x5b: {  	_ =	shalt  }
0x5c: {  	_ =	shalt  }
0x5d: {  	_ =	shalt  }
0x5e: {  	_ =	shalt  }
0x5f: {  	_ =	shalt  }
0x60: {  	_ =	shalt  }
0x61: {  	_ =	shalt  }
0x62: {  	_ =	shalt  }
0x63: {  	_ =	shalt  }
0x64: {  	_ =	shalt  }
0x65: {  	_ =	shalt  }
0x66: {  	_ =	shalt  }
0x67: {  	_ =	shalt  }
0x68: {  	_ =	shalt  }
0x69: {  	_ =	shalt  }
0x6a: {  	_ =	shalt  }
0x6b: {  	_ =	shalt  }
0x6c: {  	_ =	shalt  }
0x6d: {  	_ =	shalt  }
0x6e: {  	_ =	shalt  }
0x6f: {  	_ =	shalt  }
0x70: {  	_ =	shalt  }
0x71: {  	_ =	shalt  }
0x72: {  	_ =	shalt  }
0x73: {  	_ =	shalt  }
0x74: {  	_ =	shalt  }
0x75: {  	_ =	shalt  }
0x76: {  	_ =	shalt  }
0x77: {  	_ =	shalt  }
0x78: {  	_ =	shalt  }
0x79: {  	_ =	shalt  }
0x7a: {  	_ =	shalt  }
0x7b: {  	_ =	shalt  }
0x7c: {  	_ =	shalt  }
0x7d: {  	_ =	shalt  }
0x7e: {  	_ =	shalt  }
0x7f: {  	_ =	shalt  }
0x80: {  	_ =	shalt  }
0x81: {  	_ =	shalt  }
0x82: {  	_ =	shalt  }
0x83: {  	_ =	shalt  }
0x84: {  	_ =	shalt  }
0x85: {  	_ =	shalt  }
0x86: {  	_ =	shalt  }
0x87: {  	_ =	shalt  }
.Lfunc_end0:
.L_simem_size_0:
called_computation_lowered:
.L_overlay_start_0:
0x88: {  	s2 =	sld [smem:$0x3FD9]  }
0x89: {  	s3 =	sld [smem:$0x3FFE];
	_ =	sdelay $0x1  }
0x8a: {  	s1 =	srdreg.scid  }
0x8b: {  	s0 =	sand.u32 $0x1, s1  }
0x8c: {  	s17 =	sshll.u32 s0, $0xA;
	s2 =	sadd.s32 s3, s2  }
0x8d: {  	s2 =	sadd.s32 s2, s17  }
0x8e: {  	[smem:$0x3FC6] =	sst s2  }
0x8f: {  	_ = 	snop  }
0x90: {  	s18 =	sld [smem:$0x3FD0];
	(tm) =	ssettm $0x1  }
0x91: {  	s19 =	sld [smem:$0x3FFB];
	_ =	sdelay $0x3  }
0x92: {  	_ =	strace s19  }
0x93: {  	s2 =	sld [smem:$0x3FFC];
	_ =	sdelay $0x3  }
0x94: {  	_ =	strace s2  }
0x95: {  	s2 =	sld [smem:$0x3FFD];
	_ =	sdelay $0x3  }
0x96: {  	_ =	strace s2  }
0x97: {  	_ =	strace $0x8FFFFFFF  }
0x98: {  	s20 =	sld [smem:$0x3FDB];
	_ =	sdelay $0x1  }
0x99: {  	s4 =	simm.s32 $_scs_section_size  }
0x9a: {  	s5 =	simm.s32 $_size__tile_overlayer_lowered;
	s6 =	simm.s32 $_tile_overlayer_lowered  }
0x9b: {  	s7 =	simm.s32 $0x1BFF;
	s21 =	sshll.u32 s6, $0x1;
	s4 =	sadd.s32 s4, s20  }
0x9c: {  	s22 =	simm.s32 $0x0;
	s5 =	sshll.u32 s5, $0x1;
	s6 =	sadd.s32 s21, s4  }
0x9d: {  	[timem:s22], [sflag:s7] =	dma.local [hbm:s6], s5  }
0x9e: {  	_ =	swait.ge [sflag:s7], s5  }
0x9f: {  	s5 =	ssub.s32 $0x0, s5;
	[sflag:s7] =	ssyncset.done $0x0  }
0xa0: {  	[sflag:s7] =	ssyncadd.s32 s5;
	_ =	sdelay $0x1  }
0xa1: {  	s23 =	simm.s32 $0x1B8B  }
0xa2: {  	_ =	swait.ge [sflag:s23], $0x1  }
0xa3: {  	[sflag:s23] =	ssyncset.done $0x0  }
0xa4: {  	[sflag:s23] =	ssyncadd.s32 $0xFFFFFFFF  }
0xa5: {  	s5 =	sld [smem:$0x0]  }
0xa6: {  	s6 =	sand.u32 $0xFFFFFFFE, s1  }
0xa7: {  	p0 =	sne.s32 s1, s6  }
0xa8: {  	s6 =	sshll.u32 @p0 s6, $0xE  }
0xa9: {  	s6 =	sadd.s32 @p0 $0x11B8D, s6;
	s7 =	sshll.u32 @p0 s5, $0x11  }
0xaa: {  	s6 =	sor.u32 @p0 s7, s6  }
0xab: {  	[sflag:s6] =	ssyncadd.remote.s32 @p0 $0x1;
	_ =	sdelay $0x1  }
0xac: {  	s6 =	simm.s32 @p0 $0x1B8D  }
0xad: {  	_ =	swait.eq @p0 [sflag:s6], $0x1  }
0xae: {  	[sflag:s6] =	ssyncadd.s32 @p0 $0xFFFFFFFF  }
0xaf: {  	s7 =	sshll.u32 @!p0 s1, $0xE  }
0xb0: {  	s7 =	sor.u32 @!p0 $0x4000, s7;
	s6 =	simm.s32 @!p0 $0x1B8D  }
0xb1: {  	s5 =	sshll.u32 @!p0 s5, $0x11;
	s7 =	sadd.s32 @!p0 $0x11B8D, s7;
	_ =	swait.eq @!p0 [sflag:s6], $0x1  }
0xb2: {  	s5 =	sor.u32 @!p0 s5, s7;
	[sflag:s6] =	ssyncadd.s32 @!p0 $0xFFFFFFFF  }
0xb3: {  	s25 =	simm.s32 $0x1B8E;
	s24 =	sld [smem:$0x3FFE];
	[sflag:s5] =	ssyncadd.remote.s32 @!p0 $0x1  }
0xb4: {  	s26 =	simm.s32 $execute0_lowered;
	[smem:$0x3FD2] =	sst s25  }
0xb5: {  	s6 =	sshll.u32 s26, $0x1;
	_ =	strace $0x80000049;
	[dreg:$0x1] =	wrdreg $0xFFFFFFFF  }
0xb6: {  	s28 =	simm.s32 $_size_execute0_lowered;
	s4 =	sadd.s32 s4, s6;
	[dreg:$0x0] =	wrdreg $0x0  }
0xb7: {  	s6 =	sshll.u32 s28, $0x1;
	[dreg:$0x2] =	wrdreg s4  }
0xb8: {  	[dreg:$0x3] =	wrdreg s6  }
0xb9: {  	[dreg:$0x4] =	wrdreg $0xC0  }
0xba: {  	_ =	task [dreg:s22], $0x5FFFF  }
0xbb: {  	[dreg:$0x1] =	wrdreg $0xFFFFFFFF  }
0xbc: {  	[dreg:$0x0] =	wrdreg $0x60  }
0xbd: {  	[dreg:$0x2] =	wrdreg s24  }
0xbe: {  	[dreg:$0x3] =	wrdreg s18  }
0xbf: {  	[dreg:$0x4] =	wrdreg $0x9  }
0xc0: {  	_ =	task.clear_ibuf [dreg:s22], $0x5FFFF;
	_ =	strace $0x90000049  }
0xc1: {  	s29 =	simm.s32 $0x9;
	_ =	strace $0x8000004B  }
0xc2: {  	_ =	swait.ge [sflag:s29], $0x1  }
0xc3: {  	[sflag:s29] =	ssyncadd.s32 $0xFFFFFFFF  }
0xc4: {  	_ =	strace $0x9000004B  }
0xc5: {  	_ =	sfence  }
0xc6: {  	s30 =	sld [smem:$0x0];
	_ =	sdelay $0x2  }
0xc7: {  	s31 =	sshll.u32 s1, $0xD;
	s1 =	sshrl.u32 s1, $0x2  }
0xc8: {  	s4 =	sand.u32 $0x4000, s31;
	s1 =	sadd.s32 s1, s30  }
0xc9: {  	s0 =	sor.u32 s4, s0;
	s1 =	sshll.u32 s1, $0x11  }
0xca: {  	s0 =	sor.u32 s1, s0  }
0xcb: {  	s0 =	sadd.s32 $0x8F2B, s0  }
0xcc: {  	[sflag:s0] =	ssyncadd.remote.s32 $0x1  }
0xcd: {  	_ =	sfence.sel $0xFFFF  }
0xce: {  	[dreg:$0x0] =	wrdreg $0xFFFFFFFF;
	(pc) =	sbr.abs _section_cstart, $3  }
0xcf: {  	[dreg:$0x1] =	wrdreg $0xFFFFFFFF  }
0xd0: {  	_ =	task.clear_ibuf [dreg:s22], $0x2FFFF;
	_ =	strace $0x9FFFFFFF  }
0xd1: {  	(tm) =	ssettm $0x7FFFFFFF  }
tec
execute0_lowered:
.L_overlay_start_1:
0x0: {  	(tag) =	ssettag $0x1  }
0x1: {  	s1 =	srdreg.scid;
	s0 =	stileid.u32  }
0x2: {  	s15 =	sand.u32 $0x1, s1;
	s30 =	sshll.u32 s0, $0x1  }
0x3: {  	s12 =	sor.u32 s15, s30  }
0x4: {  	s5 =	rddreg [dreg:$0x0];
	s3 =	smul.u32 $0x48, s12  }
0x5: {  	s13 =	rddreg [dreg:$0x1];
	s2 =	simm.s32 $0x0  }
0x6: {  	s4 =	simm.s32 $0x5;
	[smem:$0x7FF] =	sst s2;
	s3 =	sadd.s32 s3, s5  }
0x7: {  	s1 =	rddreg [dreg:$0x2];
	_ =	strace $0x8000004A;
	s3 =	sadd.s32 $0x4DA00, s3  }
0x8: {  	[tilespmem:s2], [sflag:$0x5] =	stream.linear.gather [hbm4b:s3+s2], $0x240, $0x38;
	[tilespmem:$0xC280] =	vst v63  }
0x9: {  	_ =	swait.ge [sflag:s4], $0x240  }
0xa: {  	s6 =	simm.s32 $0xC0;
	s7 =	simm.s32 $0x280;
	[sflag:s4] =	ssyncset.done $0x0  }
0xb: {  	s8 =	simm.s32 $0x1;
	s5 =	sadd.s32 $0x1000, s5;
	[sflag:s4] =	ssyncadd.s32 $0xFFFFFDC0  }
0xc: {  	[tilespmem:s7], [sflag:$0x1] =	stream.indirect.gather [hbm4b:s5+s6], $0x80, s2, s6, $0xb8;
	[tilespmem:$0xC280] =	vst v63  }
0xd: {  	_ =	swait.ge [sflag:s8], $0x6000  }
0xe: {  	[sflag:s8] =	ssyncset.done $0x0  }
0xf: {  	s9 =	simm.s32 $0x6280;
	s10 =	smul.u32 $0x2400, s12;
	[sflag:s8] =	ssyncadd.s32 $0xFFFFA000  }
0x10: {  	[tilespmem:s9], [sflag:$0x2] =	stream.indirect.gather [hbm4b:s5+s6], $0x80, s6, s6, $0xb8;
	[tilespmem:$0xC280] =	vst v63  }
0x11: {  	s11 =	simm.s32 $0x2;
	s10 =	sadd.s32 s13, s10  }
0x12: {  	[hbm4b:s10+s2] =	stream.linear.scatter [tilespmem:s7], [sflag:$0x3], $0x6000, $0x38;
	[tilespmem:$0xC280] =	vst v63  }
0x13: {  	_ =	swait.ge [sflag:s11], $0x6000  }
0x14: {  	[sflag:s11] =	ssyncset.done $0x0  }
0x15: {  	s14 =	smul.u32 $0x12000, s12;
	s12 =	simm.s32 $0x3;
	[sflag:s11] =	ssyncadd.s32 $0xFFFFA000  }
0x16: {  	_ =	swait.ge [sflag:s12], $0x6000  }
0x17: {  	s17 =	ssub.s32 $0x2, s15;
	s14 =	sshrl.u32 s14, $0x3;
	[sflag:s12] =	ssyncset.done $0x0  }
0x18: {  	s16 =	sadd.s32 s13, s14;
	s13 =	simm.s32 $0x180;
	[sflag:s12] =	ssyncadd.s32 $0xFFFFA000  }
0x19: {  	[tilespmem:s7], [sflag:$0x1] =	stream.indirect.gather [hbm4b:s5+s6], $0x80, s13, s6, $0xb8;
	[tilespmem:$0xC280] =	vst v63  }
0x1a: {  	s31 =	sshrl.u32 s17, $0x1;
	s14 =	sadd.s32 $0xC00, s16  }
0x1b: {  	[hbm4b:s14+s2] =	stream.linear.scatter [tilespmem:s9], [sflag:$0x4], $0x6000, $0x38;
	[tilespmem:$0xC280] =	vst v63  }
0x1c: {  	s15 =	sadd.s32 $0x1800, s16;
	s16 =	ssub.s32 s17, s31;
	_ =	swait.ge [sflag:s8], $0x6000  }
0x1d: {  	s17 =	smax.u32 s16, $0x1;
	[sflag:s8] =	ssyncset.done $0x0  }
0x1e: {  	p0 =	sne.s32 s17, $0x1;
	[sflag:s8] =	ssyncadd.s32 $0xFFFFA000  }
0x1f: {  	[hbm4b:s15+s2] =	stream.linear.scatter [tilespmem:s7], [sflag:$0x3], $0x6000, $0x38;
	[tilespmem:$0xC280] =	vst v63  }
.Ltmp0:
0x20: {  	_ =	swait.ge [sflag:s12], $0x6000;
	(pc) =	sbr.rel @!p0 .LBB2_2-.Ltmp0, $4  }
0x21: {  	[sflag:s12] =	ssyncset.done $0x0  }
0x22: {  	s16 =	simm.s32 $0x4;
	[sflag:s12] =	ssyncadd.s32 $0xFFFFA000  }
0x23: {  	_ =	swait.ge [sflag:s16], $0x6000  }
0x24: {  	s17 =	sadd.s32 $0xFFFFFFFF, s17;
	[sflag:s16] =	ssyncset.done $0x0  }
.LBB2_1:
0x25: {  	p0 =	sne.s32 s17, $0x1;
	s17 =	sadd.s32 $0xFFFFFFFF, s17;
	[sflag:s16] =	ssyncadd.s32 $0xFFFFA000  }
0x26: {  	[tilespmem:s2], [sflag:$0x5] =	stream.linear.gather [hbm4b:s3+s2], $0x240, $0x38;
	[tilespmem:$0xC280] =	vst v63  }
0x27: {  	_ =	swait.ge [sflag:s4], $0x240  }
0x28: {  	[sflag:s4] =	ssyncset.done $0x0  }
0x29: {  	[sflag:s4] =	ssyncadd.s32 $0xFFFFFDC0  }
0x2a: {  	[tilespmem:s7], [sflag:$0x1] =	stream.indirect.gather [hbm4b:s5+s6], $0x80, s2, s6, $0xb8;
	[tilespmem:$0xC280] =	vst v63  }
0x2b: {  	_ =	swait.ge [sflag:s8], $0x6000  }
0x2c: {  	[sflag:s8] =	ssyncset.done $0x0  }
0x2d: {  	[sflag:s8] =	ssyncadd.s32 $0xFFFFA000  }
0x2e: {  	[tilespmem:s9], [sflag:$0x2] =	stream.indirect.gather [hbm4b:s5+s6], $0x80, s6, s6, $0xb8;
	[tilespmem:$0xC280] =	vst v63  }
0x2f: {  	_ = 	snop  }
0x30: {  	[hbm4b:s10+s2] =	stream.linear.scatter [tilespmem:s7], [sflag:$0x3], $0x6000, $0x38;
	[tilespmem:$0xC280] =	vst v63  }
0x31: {  	_ =	swait.ge [sflag:s11], $0x6000  }
0x32: {  	[sflag:s11] =	ssyncset.done $0x0  }
0x33: {  	[sflag:s11] =	ssyncadd.s32 $0xFFFFA000  }
0x34: {  	_ =	swait.ge [sflag:s12], $0x6000  }
0x35: {  	[sflag:s12] =	ssyncset.done $0x0  }
0x36: {  	[sflag:s12] =	ssyncadd.s32 $0xFFFFA000  }
0x37: {  	[tilespmem:s7], [sflag:$0x1] =	stream.indirect.gather [hbm4b:s5+s6], $0x80, s13, s6, $0xb8;
	[tilespmem:$0xC280] =	vst v63  }
0x38: {  	_ = 	snop  }
0x39: {  	[hbm4b:s14+s2] =	stream.linear.scatter [tilespmem:s9], [sflag:$0x4], $0x6000, $0x38;
	[tilespmem:$0xC280] =	vst v63  }
0x3a: {  	_ =	swait.ge [sflag:s8], $0x6000  }
0x3b: {  	[sflag:s8] =	ssyncset.done $0x0  }
0x3c: {  	[sflag:s8] =	ssyncadd.s32 $0xFFFFA000  }
0x3d: {  	[hbm4b:s15+s2] =	stream.linear.scatter [tilespmem:s7], [sflag:$0x3], $0x6000, $0x38;
	[tilespmem:$0xC280] =	vst v63  }
.Ltmp1:
0x3e: {  	_ =	swait.ge [sflag:s12], $0x6000;
	(pc) =	sbr.rel @p0 .LBB2_1-.Ltmp1, $4  }
0x3f: {  	[sflag:s12] =	ssyncset.done $0x0  }
0x40: {  	[sflag:s12] =	ssyncadd.s32 $0xFFFFA000  }
0x41: {  	_ =	swait.ge [sflag:s16], $0x6000  }
0x42: {  	[sflag:s16] =	ssyncset.done $0x0  }
.LBB2_2:
0x43: {  	[sflag:s16] =	ssyncadd.s32 $0xFFFFA000  }
0x44: {  	_ =	sfence.sel $0x180000  }
0x45: {  	[bflag:$0x0] =	sbarrier.arrive $0xFFFF  }
0x46: {  	p0 =	sne.s32 s0, $0x0;
	_ =	strace $0x9000004A  }
0x47: {  	s0 =	sadd.s32 @!p0 $0x100000, s1;
	[bflag:$0x2] =	sbarrier.arrive $0xFFFF  }
0x48: {  	[sflag:s0] =	ssyncadd.tile.s32 @!p0 $0x1;
	_ =	shalt  }
.Lfunc_end2:
_tile_overlayer_lowered:
.L_overlay_start_2:
0x49: {  	(tag) =	ssettag $0x2  }
0x4a: {  	s0 =	rddreg [dreg:$0x0];
	s2 =	stileid.u32  }
0x4b: {  	s1 =	rddreg [dreg:$0x1];
	p0 =	sne.s32 s2, $0x0  }
0x4c: {  	s3 =	rddreg [dreg:$0x2];
	[bflag:$0x3] =	sbarrier.arrive $0xFFFF;
	s2 =	simm.s32 @!p0 $0x1C05  }
0x4d: {  	[timem:s3], [sflag:s2] =	dma.local @!p0 [hbm:s0], s1  }
0x4e: {  	s0 =	simm.s32 @!p0 $0x5  }
0x4f: {  	_ =	swait.ge @!p0 [sflag:s0], s1  }
0x50: {  	s1 =	ssub.s32 @!p0 $0x0, s1;
	[sflag:s0] =	ssyncset.done @!p0 $0x0  }
0x51: {  	[sflag:s0] =	ssyncadd.s32 @!p0 s1  }
0x52: {  	[bflag:$0x3] =	sbarrier.arrive $0xFFFF  }
0x53: {  	_ =	shalt  }

</sc_bundles>
